<compile_context>
chip_gen: v7x
topology: tpu7x:2x2x1
jax: 0.10.2.dev20260603
libtpu: 0.0.44.dev20260713+nightly
codegen_flags: <defaults>
</compile_context>

<pallas_src>
import functools

import jax
import jax.numpy as jnp
from jax import lax
from jax.experimental import pallas as pl
from jax.experimental.pallas import tpu as pltpu
from jax.experimental.pallas import tpu_sc as plsc

N = 262144
B = 4096
H = 128

BLK = 8192
NBLK = N // BLK
ABLKS = 24
BBLKS = NBLK - ABLKS
NA = ABLKS * BLK
NB = BBLKS * BLK

try:
    _info = plsc.get_sparse_core_info()
    NC = _info.num_cores
    NS = _info.num_subcores
except Exception:
    NC = 2
    NS = 16
NW = NC * NS


def _make_stage1(off_blocks, nblocks, with_lat):
    def body(aux_ref, ph_ref, eh_ref, lat_ref, r_ref, errl_ref):
        pid = pl.program_id(0)
        d = eh_ref[...] - ph_ref[...]
        rh = jax.lax.dot_general(
            jnp.ones((1, H), jnp.float32), d * d,
            dimension_numbers=(((1,), (1,)), ((), ())),
            preferred_element_type=jnp.float32,
        )
        sig = aux_ref[6:7, :]
        sig2 = sig * sig
        rx = jnp.zeros((1, BLK), jnp.float32)
        for c in range(3):
            e = aux_ref[c:c + 1, :] / sig2 - aux_ref[3 + c:4 + c, :]
            rx = rx + e * e
        r_ref[...] = (rh + 0.5 * sig2 * rx).reshape(BLK)

        @pl.when(pid == 0)
        def _():
            if with_lat:
                tot = jnp.zeros((B,), jnp.float32)
                for i in range(3):
                    for j in range(3):
                        acc = jnp.zeros((B,), jnp.float32)
                        for k in range(3):
                            acc = acc + (lat_ref[3 * i + k, :]
                                         * lat_ref[9 + 3 * k + j, :])
                        dlt = lat_ref[18 + 3 * i + j, :] - acc
                        tot = tot + dlt * dlt
                errl_ref[0, 0] = jnp.sum(tot)
            else:
                errl_ref[0, 0] = 0.0

    return pl.pallas_call(
        body,
        grid=(nblocks,),
        in_specs=[
            pl.BlockSpec((8, BLK), lambda i: (0, i + off_blocks)),
            pl.BlockSpec((BLK, H), lambda i: (i + off_blocks, 0)),
            pl.BlockSpec((BLK, H), lambda i: (i + off_blocks, 0)),
            pl.BlockSpec((32, B), lambda i: (0, 0)),
        ],
        out_specs=[
            pl.BlockSpec((BLK,), lambda i: (i,)),
            pl.BlockSpec((1, 1), lambda i: (0, 0), memory_space=pltpu.SMEM),
        ],
        out_shape=[
            jax.ShapeDtypeStruct((nblocks * BLK,), jnp.float32),
            jax.ShapeDtypeStruct((1, 1), jnp.float32),
        ],
        compiler_params=pltpu.CompilerParams(
            dimension_semantics=("arbitrary",),
        ),
    )


_stage1_a = _make_stage1(0, ABLKS, True)
_stage1_b = _make_stage1(ABLKS, BBLKS, False)


def _make_sc_body(off, chunk):
    def _sc_body(ids_hbm, r_hbm, sums_hbm, cnts_hbm,
                 idx_v, val_v, sums_v, cnts_v):
        cid = lax.axis_index("c")
        sid = lax.axis_index("s")
        wid = cid * NS + sid
        base = wid * chunk
        pltpu.sync_copy(ids_hbm.at[pl.ds(off + base, chunk)], idx_v)
        pltpu.sync_copy(r_hbm.at[pl.ds(base, chunk)], val_v)

        zeros16 = jnp.zeros((16,), jnp.float32)

        def zero_body(i, carry):
            for u in range(4):
                o = (i * 4 + u) * 16
                sums_v[pl.ds(o, 16)] = zeros16
                cnts_v[pl.ds(o, 16)] = zeros16
            return carry

        lax.fori_loop(0, B // 64, zero_body, 0)

        ones16 = jnp.full((16,), 1.0, jnp.float32)

        def scat_body(i, carry):
            for u in range(4):
                o = (i * 4 + u) * 16
                ix = idx_v[pl.ds(o, 16)]
                v = val_v[pl.ds(o, 16)]
                plsc.addupdate_scatter(sums_v, [ix], v)
                plsc.addupdate_scatter(cnts_v, [ix], ones16)
            return carry

        lax.fori_loop(0, chunk // 64, scat_body, 0)

        pltpu.sync_copy(sums_v, sums_hbm.at[wid])
        pltpu.sync_copy(cnts_v, cnts_hbm.at[wid])

    return _sc_body


@functools.lru_cache(maxsize=2)
def _sc_scatter(off, chunk):
    return functools.partial(
        pl.kernel,
        mesh=plsc.VectorSubcoreMesh(core_axis_name="c", subcore_axis_name="s",
                                    num_cores=NC, num_subcores=NS),
        out_type=[
            jax.ShapeDtypeStruct((NW, B), jnp.float32),
            jax.ShapeDtypeStruct((NW, B), jnp.float32),
        ],
        scratch_types=[
            pltpu.VMEM((chunk,), jnp.int32),
            pltpu.VMEM((chunk,), jnp.float32),
            pltpu.VMEM((B,), jnp.float32),
            pltpu.VMEM((B,), jnp.float32),
        ],
        compiler_params=pltpu.CompilerParams(needs_layout_passes=False),
    )(_make_sc_body(off, chunk))


def _stage3_body(sa_ref, ca_ref, sb_ref, cb_ref, errl_ref, out_ref):
    s = jnp.sum(sa_ref[...], axis=0) + jnp.sum(sb_ref[...], axis=0)
    c = jnp.sum(ca_ref[...], axis=0) + jnp.sum(cb_ref[...], axis=0)
    seg = s / jnp.maximum(c, 1.0)
    out_ref[0, 0] = jnp.sum(seg) * (1.0 / B) + errl_ref[0, 0]


_stage3 = pl.pallas_call(
    _stage3_body,
    in_specs=[
        pl.BlockSpec((NW, B), lambda: (0, 0)),
        pl.BlockSpec((NW, B), lambda: (0, 0)),
        pl.BlockSpec((NW, B), lambda: (0, 0)),
        pl.BlockSpec((NW, B), lambda: (0, 0)),
        pl.BlockSpec((1, 1), lambda: (0, 0), memory_space=pltpu.SMEM),
    ],
    out_specs=pl.BlockSpec((1, 1), lambda: (0, 0), memory_space=pltpu.SMEM),
    out_shape=jax.ShapeDtypeStruct((1, 1), jnp.float32),
)


def kernel(pred_eps_x, target_eps_x, used_sigmas_x, pred_eps_h, eps_h,
           pred_eps_l, eps_l, inv_rot_mat, batch_ids):
    aux = jnp.concatenate(
        [target_eps_x.T, pred_eps_x.T, used_sigmas_x.T,
         jnp.zeros((1, N), jnp.float32)], axis=0)
    lat = jnp.concatenate(
        [inv_rot_mat.reshape(B, 9).T, pred_eps_l.reshape(B, 9).T,
         eps_l.reshape(B, 9).T, jnp.zeros((5, B), jnp.float32)], axis=0)
    r_a, errl = _stage1_a(aux, pred_eps_h, eps_h, lat)
    sums_a, cnts_a = _sc_scatter(0, NA // NW)(batch_ids, r_a)
    r_b, _ = _stage1_b(aux, pred_eps_h, eps_h, lat)
    sums_b, cnts_b = _sc_scatter(NA, NB // NW)(batch_ids, r_b)
    out = _stage3(sums_a, cnts_a, sums_b, cnts_b, errl)
    return out[0, 0]

# --- scband reference (transcript-rebuilt; emitter-appended) ---
"""Pipeline reference for scband-diffusion-loss-50448685859098 (READ-ONLY COPY).

The authoritative reference and input builder live on the scoring server;
editing this copy changes nothing except your own understanding.
"""

import jax, jax.numpy as jnp
import numpy as np

N = 262144
B = 4096
H = 128


def scatter_mean(vals, seg, num_segments):
    s = jax.ops.segment_sum(vals, seg, num_segments=num_segments)
    cnt = jax.ops.segment_sum(jnp.ones((vals.shape[0],), vals.dtype), seg, num_segments=num_segments)
    return s / jnp.maximum(cnt, 1.0)[:, None]


def setup_inputs(seed: int = 0):
    key = jax.random.key(seed)
    ks = jax.random.split(key, 9)
    return {
        "pred_eps_x": jax.random.normal(ks[0], (N, 3), jnp.float32),
        "target_eps_x": jax.random.normal(ks[1], (N, 3), jnp.float32),
        "used_sigmas_x": jax.random.uniform(ks[2], (N, 1), jnp.float32) * 9.9 + 0.1,
        "pred_eps_h": jax.random.normal(ks[3], (N, H), jnp.float32),
        "eps_h": jax.random.normal(ks[4], (N, H), jnp.float32),
        "pred_eps_l": jax.random.normal(ks[5], (B, 3, 3), jnp.float32),
        "eps_l": jax.random.normal(ks[6], (B, 3, 3), jnp.float32),
        "inv_rot_mat": jax.random.normal(ks[7], (B, 3, 3), jnp.float32),
        "batch_ids": jnp.sort(jax.random.randint(ks[8], (N,), 0, B)),
    }


def reference(pred_eps_x, target_eps_x, used_sigmas_x, pred_eps_h, eps_h, pred_eps_l, eps_l, inv_rot_mat, batch_ids):
    # error_x = scatter_mean(weights * (eps - pred_eps)**2, batch).sum(-1)
    # with weights = 0.5 * sigma^2 and eps = target_eps_x / sigma^2
    sig2 = used_sigmas_x ** 2
    weights = 0.5 * sig2
    err_x = scatter_mean(weights * (target_eps_x / sig2 - pred_eps_x) ** 2, batch_ids, B).sum(-1)
    # error_h = scatter_mean((eps_h - pred_eps_h)**2, batch).sum(-1)
    err_h = scatter_mean((eps_h - pred_eps_h) ** 2, batch_ids, B).sum(-1)
    # lattice: noisy_symmetric_lattice_hat = inv_rot_mat @ pred_eps_l; global squared error summed
    pred_sym = jnp.matmul(inv_rot_mat, pred_eps_l)
    err_l = ((eps_l - pred_sym) ** 2).sum()
    loss = 1.0 * err_x + 1.0 * err_h + 1.0 * err_l
    return loss.mean()

if __name__ == "__main__":
    import jax
    _d = setup_inputs()
    print(jax.jit(kernel)(*tuple(_d.values())))

</pallas_src>

<mosaic_0001>
#map = affine_map<(d0, d1) -> (0)>
#map1 = affine_map<(d0, d1) -> (0, 0)>
module attributes {stable_mosaic.version = 14 : i64} {
  func.func @_sc_body(%arg0: i32, %arg1: i32, %arg2: memref<262144xi32, #tpu.memory_space<hbm>>, %arg3: memref<196608xf32, #tpu.memory_space<hbm>>, %arg4: memref<32x4096xf32, #tpu.memory_space<hbm>>, %arg5: memref<32x4096xf32, #tpu.memory_space<hbm>>, %arg6: memref<6144xi32, #tpu.memory_space<vmem>>, %arg7: memref<6144xf32, #tpu.memory_space<vmem>>, %arg8: memref<4096xf32, #tpu.memory_space<vmem>>, %arg9: memref<4096xf32, #tpu.memory_space<vmem>>) attributes {dimension_semantics = [#tpu.dimension_semantics<core_parallel>, #tpu.dimension_semantics<subcore_parallel>], iteration_bounds = array<i64: 2, 16>, scalar_prefetch = 0 : i64, scratch_operands = 4 : i64, tpu.core_type = #tpu.core_type<sc_vector_subcore>, window_params = [{transform_indices = #map}, {transform_indices = #map}, {transform_indices = #map1}, {transform_indices = #map1}]} {
    %mul3A = arith.constant 16 : i32
    %mul3A_0 = arith.muli %arg0, %mul3A : i32
    %add3A = arith.addi %mul3A_0, %arg1 : i32
    %mul3A_1 = arith.constant 6144 : i32
    %mul3A_2 = arith.muli %add3A, %mul3A_1 : i32
    %add3A_3 = arith.constant 0 : i32
    %add3A_4 = arith.addi %add3A_3, %mul3A_2 : i32
    "tpu.region"() ({
      %run_scoped3A = tpu.sem_alloc : memref<!tpu.dma_semaphore, #tpu.memory_space<semaphore_mem>>
      %dma_start3A = tpu.memref_slice %arg2[%add3A_4] : memref<262144xi32, #tpu.memory_space<hbm>> -> memref<6144xi32, #tpu.memory_space<hbm>>
      %dma_start3A_19 = tpu.memref_slice %arg2[%add3A_4] : memref<262144xi32, #tpu.memory_space<hbm>> -> memref<6144xi32, #tpu.memory_space<hbm>>
      tpu.enqueue_dma source(%dma_start3A_19 : memref<6144xi32, #tpu.memory_space<hbm>>) target(%arg6 : memref<6144xi32, #tpu.memory_space<vmem>>) target_semaphore(%run_scoped3A : memref<!tpu.dma_semaphore, #tpu.memory_space<semaphore_mem>>)
      %dma_wait3A = tpu.memref_slice %arg2[%add3A_4] : memref<262144xi32, #tpu.memory_space<hbm>> -> memref<6144xi32, #tpu.memory_space<hbm>>
      %dma_wait3A_20 = tpu.memref_slice %arg2[%add3A_4] : memref<262144xi32, #tpu.memory_space<hbm>> -> memref<6144xi32, #tpu.memory_space<hbm>>
      tpu.wait_dma2 semaphore(%run_scoped3A : memref<!tpu.dma_semaphore, #tpu.memory_space<semaphore_mem>>) src(%dma_wait3A_20 : memref<6144xi32, #tpu.memory_space<hbm>>) dst(%arg6 : memref<6144xi32, #tpu.memory_space<vmem>>)
      tpu.yield
    }) : () -> ()
    "tpu.region"() ({
      %run_scoped3A = tpu.sem_alloc : memref<!tpu.dma_semaphore, #tpu.memory_space<semaphore_mem>>
      %dma_start3A = tpu.memref_slice %arg3[%mul3A_2] : memref<196608xf32, #tpu.memory_space<hbm>> -> memref<6144xf32, #tpu.memory_space<hbm>>
      %dma_start3A_19 = tpu.memref_slice %arg3[%mul3A_2] : memref<196608xf32, #tpu.memory_space<hbm>> -> memref<6144xf32, #tpu.memory_space<hbm>>
      tpu.enqueue_dma source(%dma_start3A_19 : memref<6144xf32, #tpu.memory_space<hbm>>) target(%arg7 : memref<6144xf32, #tpu.memory_space<vmem>>) target_semaphore(%run_scoped3A : memref<!tpu.dma_semaphore, #tpu.memory_space<semaphore_mem>>)
      %dma_wait3A = tpu.memref_slice %arg3[%mul3A_2] : memref<196608xf32, #tpu.memory_space<hbm>> -> memref<6144xf32, #tpu.memory_space<hbm>>
      %dma_wait3A_20 = tpu.memref_slice %arg3[%mul3A_2] : memref<196608xf32, #tpu.memory_space<hbm>> -> memref<6144xf32, #tpu.memory_space<hbm>>
      tpu.wait_dma2 semaphore(%run_scoped3A : memref<!tpu.dma_semaphore, #tpu.memory_space<semaphore_mem>>) src(%dma_wait3A_20 : memref<6144xf32, #tpu.memory_space<hbm>>) dst(%arg7 : memref<6144xf32, #tpu.memory_space<vmem>>)
      tpu.yield
    }) : () -> ()
    %broadcast_in_dim3A = arith.constant 0.000000e+00 : f32
    %broadcast_in_dim3A_5 = vector.broadcast %broadcast_in_dim3A : f32 to vector<16xf32>
    %scan3A = arith.constant 0 : i32
    %scan3A_6 = arith.constant 0 : i32
    %scan3A_7 = arith.constant 64 : i32
    %scan3A_8 = arith.addi %scan3A_6, %scan3A_7 : i32
    %scan3A_9 = arith.constant 1 : i32
    scf.for %scan3A_19 = %scan3A_6 to %scan3A_8 step %scan3A_9  : i32 {
      %mul3A_20 = arith.constant 4 : i32
      %mul3A_21 = arith.muli %scan3A_19, %mul3A_20 : i32
      %add3A_22 = arith.constant 0 : i32
      %add3A_23 = arith.addi %mul3A_21, %add3A_22 : i32
      %mul3A_24 = arith.constant 16 : i32
      %mul3A_25 = arith.muli %add3A_23, %mul3A_24 : i32
      %swap3A = arith.index_cast %mul3A_25 : i32 to index
      %swap3A_26 = tpu.vector_load %arg8[%swap3A] {strides = array<i32>} : memref<4096xf32, #tpu.memory_space<vmem>>, vector<16xf32>,
      tpu.vector_store %arg8[%swap3A], %broadcast_in_dim3A_5 {strides = array<i32>} : memref<4096xf32, #tpu.memory_space<vmem>>, vector<16xf32>,
      %swap3A_27 = arith.index_cast %mul3A_25 : i32 to index
      %swap3A_28 = tpu.vector_load %arg9[%swap3A_27] {strides = array<i32>} : memref<4096xf32, #tpu.memory_space<vmem>>, vector<16xf32>,
      tpu.vector_store %arg9[%swap3A_27], %broadcast_in_dim3A_5 {strides = array<i32>} : memref<4096xf32, #tpu.memory_space<vmem>>, vector<16xf32>,
      %mul3A_29 = arith.constant 4 : i32
      %mul3A_30 = arith.muli %scan3A_19, %mul3A_29 : i32
      %add3A_31 = arith.constant 1 : i32
      %add3A_32 = arith.addi %mul3A_30, %add3A_31 : i32
      %mul3A_33 = arith.constant 16 : i32
      %mul3A_34 = arith.muli %add3A_32, %mul3A_33 : i32
      %swap3A_35 = arith.index_cast %mul3A_34 : i32 to index
      %swap3A_36 = tpu.vector_load %arg8[%swap3A_35] {strides = array<i32>} : memref<4096xf32, #tpu.memory_space<vmem>>, vector<16xf32>,
      tpu.vector_store %arg8[%swap3A_35], %broadcast_in_dim3A_5 {strides = array<i32>} : memref<4096xf32, #tpu.memory_space<vmem>>, vector<16xf32>,
      %swap3A_37 = arith.index_cast %mul3A_34 : i32 to index
      %swap3A_38 = tpu.vector_load %arg9[%swap3A_37] {strides = array<i32>} : memref<4096xf32, #tpu.memory_space<vmem>>, vector<16xf32>,
      tpu.vector_store %arg9[%swap3A_37], %broadcast_in_dim3A_5 {strides = array<i32>} : memref<4096xf32, #tpu.memory_space<vmem>>, vector<16xf32>,
      %mul3A_39 = arith.constant 4 : i32
      %mul3A_40 = arith.muli %scan3A_19, %mul3A_39 : i32
      %add3A_41 = arith.constant 2 : i32
      %add3A_42 = arith.addi %mul3A_40, %add3A_41 : i32
      %mul3A_43 = arith.constant 16 : i32
      %mul3A_44 = arith.muli %add3A_42, %mul3A_43 : i32
      %swap3A_45 = arith.index_cast %mul3A_44 : i32 to index
      %swap3A_46 = tpu.vector_load %arg8[%swap3A_45] {strides = array<i32>} : memref<4096xf32, #tpu.memory_space<vmem>>, vector<16xf32>,
      tpu.vector_store %arg8[%swap3A_45], %broadcast_in_dim3A_5 {strides = array<i32>} : memref<4096xf32, #tpu.memory_space<vmem>>, vector<16xf32>,
      %swap3A_47 = arith.index_cast %mul3A_44 : i32 to index
      %swap3A_48 = tpu.vector_load %arg9[%swap3A_47] {strides = array<i32>} : memref<4096xf32, #tpu.memory_space<vmem>>, vector<16xf32>,
      tpu.vector_store %arg9[%swap3A_47], %broadcast_in_dim3A_5 {strides = array<i32>} : memref<4096xf32, #tpu.memory_space<vmem>>, vector<16xf32>,
      %mul3A_49 = arith.constant 4 : i32
      %mul3A_50 = arith.muli %scan3A_19, %mul3A_49 : i32
      %add3A_51 = arith.constant 3 : i32
      %add3A_52 = arith.addi %mul3A_50, %add3A_51 : i32
      %mul3A_53 = arith.constant 16 : i32
      %mul3A_54 = arith.muli %add3A_52, %mul3A_53 : i32
      %swap3A_55 = arith.index_cast %mul3A_54 : i32 to index
      %swap3A_56 = tpu.vector_load %arg8[%swap3A_55] {strides = array<i32>} : memref<4096xf32, #tpu.memory_space<vmem>>, vector<16xf32>,
      tpu.vector_store %arg8[%swap3A_55], %broadcast_in_dim3A_5 {strides = array<i32>} : memref<4096xf32, #tpu.memory_space<vmem>>, vector<16xf32>,
      %swap3A_57 = arith.index_cast %mul3A_54 : i32 to index
      %swap3A_58 = tpu.vector_load %arg9[%swap3A_57] {strides = array<i32>} : memref<4096xf32, #tpu.memory_space<vmem>>, vector<16xf32>,
      tpu.vector_store %arg9[%swap3A_57], %broadcast_in_dim3A_5 {strides = array<i32>} : memref<4096xf32, #tpu.memory_space<vmem>>, vector<16xf32>,
    }
    %scan3A_10 = arith.constant 64 : i32
    %broadcast_in_dim3A_11 = arith.constant 1.000000e+00 : f32
    %broadcast_in_dim3A_12 = vector.broadcast %broadcast_in_dim3A_11 : f32 to vector<16xf32>
    %scan3A_13 = arith.constant 0 : i32
    %scan3A_14 = arith.constant 0 : i32
    %scan3A_15 = arith.constant 96 : i32
    %scan3A_16 = arith.addi %scan3A_14, %scan3A_15 : i32
    %scan3A_17 = arith.constant 1 : i32
    scf.for %scan3A_19 = %scan3A_14 to %scan3A_16 step %scan3A_17  : i32 {
      %mul3A_20 = arith.constant 4 : i32
      %mul3A_21 = arith.muli %scan3A_19, %mul3A_20 : i32
      %add3A_22 = arith.constant 0 : i32
      %add3A_23 = arith.addi %mul3A_21, %add3A_22 : i32
      %mul3A_24 = arith.constant 16 : i32
      %mul3A_25 = arith.muli %add3A_23, %mul3A_24 : i32
      %get3A = arith.index_cast %mul3A_25 : i32 to index
      %get3A_26 = tpu.vector_load %arg6[%get3A] {strides = array<i32>} : memref<6144xi32, #tpu.memory_space<vmem>>, vector<16xi32>,
      %get3A_27 = arith.index_cast %mul3A_25 : i32 to index
      %get3A_28 = tpu.vector_load %arg7[%get3A_27] {strides = array<i32>} : memref<6144xf32, #tpu.memory_space<vmem>>, vector<16xf32>,
      tpu.vector_store_idx %arg8[%get3A_26], %get3A_28 {add = true} : memref<4096xf32, #tpu.memory_space<vmem>>[vector<16xi32>], vector<16xf32>,
      tpu.vector_store_idx %arg9[%get3A_26], %broadcast_in_dim3A_12 {add = true} : memref<4096xf32, #tpu.memory_space<vmem>>[vector<16xi32>], vector<16xf32>,
      %mul3A_29 = arith.constant 4 : i32
      %mul3A_30 = arith.muli %scan3A_19, %mul3A_29 : i32
      %add3A_31 = arith.constant 1 : i32
      %add3A_32 = arith.addi %mul3A_30, %add3A_31 : i32
      %mul3A_33 = arith.constant 16 : i32
      %mul3A_34 = arith.muli %add3A_32, %mul3A_33 : i32
      %get3A_35 = arith.index_cast %mul3A_34 : i32 to index
      %get3A_36 = tpu.vector_load %arg6[%get3A_35] {strides = array<i32>} : memref<6144xi32, #tpu.memory_space<vmem>>, vector<16xi32>,
      %get3A_37 = arith.index_cast %mul3A_34 : i32 to index
      %get3A_38 = tpu.vector_load %arg7[%get3A_37] {strides = array<i32>} : memref<6144xf32, #tpu.memory_space<vmem>>, vector<16xf32>,
      tpu.vector_store_idx %arg8[%get3A_36], %get3A_38 {add = true} : memref<4096xf32, #tpu.memory_space<vmem>>[vector<16xi32>], vector<16xf32>,
      tpu.vector_store_idx %arg9[%get3A_36], %broadcast_in_dim3A_12 {add = true} : memref<4096xf32, #tpu.memory_space<vmem>>[vector<16xi32>], vector<16xf32>,
      %mul3A_39 = arith.constant 4 : i32
      %mul3A_40 = arith.muli %scan3A_19, %mul3A_39 : i32
      %add3A_41 = arith.constant 2 : i32
      %add3A_42 = arith.addi %mul3A_40, %add3A_41 : i32
      %mul3A_43 = arith.constant 16 : i32
      %mul3A_44 = arith.muli %add3A_42, %mul3A_43 : i32
      %get3A_45 = arith.index_cast %mul3A_44 : i32 to index
      %get3A_46 = tpu.vector_load %arg6[%get3A_45] {strides = array<i32>} : memref<6144xi32, #tpu.memory_space<vmem>>, vector<16xi32>,
      %get3A_47 = arith.index_cast %mul3A_44 : i32 to index
      %get3A_48 = tpu.vector_load %arg7[%get3A_47] {strides = array<i32>} : memref<6144xf32, #tpu.memory_space<vmem>>, vector<16xf32>,
      tpu.vector_store_idx %arg8[%get3A_46], %get3A_48 {add = true} : memref<4096xf32, #tpu.memory_space<vmem>>[vector<16xi32>], vector<16xf32>,
      tpu.vector_store_idx %arg9[%get3A_46], %broadcast_in_dim3A_12 {add = true} : memref<4096xf32, #tpu.memory_space<vmem>>[vector<16xi32>], vector<16xf32>,
      %mul3A_49 = arith.constant 4 : i32
      %mul3A_50 = arith.muli %scan3A_19, %mul3A_49 : i32
      %add3A_51 = arith.constant 3 : i32
      %add3A_52 = arith.addi %mul3A_50, %add3A_51 : i32
      %mul3A_53 = arith.constant 16 : i32
      %mul3A_54 = arith.muli %add3A_52, %mul3A_53 : i32
      %get3A_55 = arith.index_cast %mul3A_54 : i32 to index
      %get3A_56 = tpu.vector_load %arg6[%get3A_55] {strides = array<i32>} : memref<6144xi32, #tpu.memory_space<vmem>>, vector<16xi32>,
      %get3A_57 = arith.index_cast %mul3A_54 : i32 to index
      %get3A_58 = tpu.vector_load %arg7[%get3A_57] {strides = array<i32>} : memref<6144xf32, #tpu.memory_space<vmem>>, vector<16xf32>,
      tpu.vector_store_idx %arg8[%get3A_56], %get3A_58 {add = true} : memref<4096xf32, #tpu.memory_space<vmem>>[vector<16xi32>], vector<16xf32>,
      tpu.vector_store_idx %arg9[%get3A_56], %broadcast_in_dim3A_12 {add = true} : memref<4096xf32, #tpu.memory_space<vmem>>[vector<16xi32>], vector<16xf32>,
    }
    %scan3A_18 = arith.constant 96 : i32
    "tpu.region"() ({
      %run_scoped3A = tpu.sem_alloc : memref<!tpu.dma_semaphore, #tpu.memory_space<semaphore_mem>>
      %dma_start3A = arith.constant 0 : i32
      %dma_start3A_19 = tpu.memref_slice %arg4[%add3A, %dma_start3A] : memref<32x4096xf32, #tpu.memory_space<hbm>> -> memref<1x4096xf32, #tpu.memory_space<hbm>>
      %dma_start3A_20 = tpu.memref_squeeze %dma_start3A_19 : memref<1x4096xf32, #tpu.memory_space<hbm>> -> memref<4096xf32, #tpu.memory_space<hbm>>
      %dma_start3A_21 = arith.constant 0 : i32
      %dma_start3A_22 = tpu.memref_slice %arg4[%add3A, %dma_start3A_21] : memref<32x4096xf32, #tpu.memory_space<hbm>> -> memref<1x4096xf32, #tpu.memory_space<hbm>>
      %dma_start3A_23 = tpu.memref_squeeze %dma_start3A_22 : memref<1x4096xf32, #tpu.memory_space<hbm>> -> memref<4096xf32, #tpu.memory_space<hbm>>
      tpu.enqueue_dma source(%arg8 : memref<4096xf32, #tpu.memory_space<vmem>>) target(%dma_start3A_23 : memref<4096xf32, #tpu.memory_space<hbm>>) target_semaphore(%run_scoped3A : memref<!tpu.dma_semaphore, #tpu.memory_space<semaphore_mem>>)
      %dma_wait3A = arith.constant 0 : i32
      %dma_wait3A_24 = tpu.memref_slice %arg4[%add3A, %dma_wait3A] : memref<32x4096xf32, #tpu.memory_space<hbm>> -> memref<1x4096xf32, #tpu.memory_space<hbm>>
      %dma_wait3A_25 = tpu.memref_squeeze %dma_wait3A_24 : memref<1x4096xf32, #tpu.memory_space<hbm>> -> memref<4096xf32, #tpu.memory_space<hbm>>
      %dma_wait3A_26 = arith.constant 0 : i32
      %dma_wait3A_27 = tpu.memref_slice %arg4[%add3A, %dma_wait3A_26] : memref<32x4096xf32, #tpu.memory_space<hbm>> -> memref<1x4096xf32, #tpu.memory_space<hbm>>
      %dma_wait3A_28 = tpu.memref_squeeze %dma_wait3A_27 : memref<1x4096xf32, #tpu.memory_space<hbm>> -> memref<4096xf32, #tpu.memory_space<hbm>>
      tpu.wait_dma2 semaphore(%run_scoped3A : memref<!tpu.dma_semaphore, #tpu.memory_space<semaphore_mem>>) src(%arg8 : memref<4096xf32, #tpu.memory_space<vmem>>) dst(%dma_wait3A_28 : memref<4096xf32, #tpu.memory_space<hbm>>)
      tpu.yield
    }) : () -> ()
    "tpu.region"() ({
      %run_scoped3A = tpu.sem_alloc : memref<!tpu.dma_semaphore, #tpu.memory_space<semaphore_mem>>
      %dma_start3A = arith.constant 0 : i32
      %dma_start3A_19 = tpu.memref_slice %arg5[%add3A, %dma_start3A] : memref<32x4096xf32, #tpu.memory_space<hbm>> -> memref<1x4096xf32, #tpu.memory_space<hbm>>
      %dma_start3A_20 = tpu.memref_squeeze %dma_start3A_19 : memref<1x4096xf32, #tpu.memory_space<hbm>> -> memref<4096xf32, #tpu.memory_space<hbm>>
      %dma_start3A_21 = arith.constant 0 : i32
      %dma_start3A_22 = tpu.memref_slice %arg5[%add3A, %dma_start3A_21] : memref<32x4096xf32, #tpu.memory_space<hbm>> -> memref<1x4096xf32, #tpu.memory_space<hbm>>
      %dma_start3A_23 = tpu.memref_squeeze %dma_start3A_22 : memref<1x4096xf32, #tpu.memory_space<hbm>> -> memref<4096xf32, #tpu.memory_space<hbm>>
      tpu.enqueue_dma source(%arg9 : memref<4096xf32, #tpu.memory_space<vmem>>) target(%dma_start3A_23 : memref<4096xf32, #tpu.memory_space<hbm>>) target_semaphore(%run_scoped3A : memref<!tpu.dma_semaphore, #tpu.memory_space<semaphore_mem>>)
      %dma_wait3A = arith.constant 0 : i32
      %dma_wait3A_24 = tpu.memref_slice %arg5[%add3A, %dma_wait3A] : memref<32x4096xf32, #tpu.memory_space<hbm>> -> memref<1x4096xf32, #tpu.memory_space<hbm>>
      %dma_wait3A_25 = tpu.memref_squeeze %dma_wait3A_24 : memref<1x4096xf32, #tpu.memory_space<hbm>> -> memref<4096xf32, #tpu.memory_space<hbm>>
      %dma_wait3A_26 = arith.constant 0 : i32
      %dma_wait3A_27 = tpu.memref_slice %arg5[%add3A, %dma_wait3A_26] : memref<32x4096xf32, #tpu.memory_space<hbm>> -> memref<1x4096xf32, #tpu.memory_space<hbm>>
      %dma_wait3A_28 = tpu.memref_squeeze %dma_wait3A_27 : memref<1x4096xf32, #tpu.memory_space<hbm>> -> memref<4096xf32, #tpu.memory_space<hbm>>
      tpu.wait_dma2 semaphore(%run_scoped3A : memref<!tpu.dma_semaphore, #tpu.memory_space<semaphore_mem>>) src(%arg9 : memref<4096xf32, #tpu.memory_space<vmem>>) dst(%dma_wait3A_28 : memref<4096xf32, #tpu.memory_space<hbm>>)
      tpu.yield
    }) : () -> ()
    return
  }
}

#map = affine_map<(d0, d1) -> (0)>
#map1 = affine_map<(d0, d1) -> (0, 0)>
module attributes {stable_mosaic.version = 14 : i64} {
  func.func @_sc_body(%arg0: i32, %arg1: i32, %arg2: memref<262144xi32, #tpu.memory_space<hbm>>, %arg3: memref<65536xf32, #tpu.memory_space<hbm>>, %arg4: memref<32x4096xf32, #tpu.memory_space<hbm>>, %arg5: memref<32x4096xf32, #tpu.memory_space<hbm>>, %arg6: memref<2048xi32, #tpu.memory_space<vmem>>, %arg7: memref<2048xf32, #tpu.memory_space<vmem>>, %arg8: memref<4096xf32, #tpu.memory_space<vmem>>, %arg9: memref<4096xf32, #tpu.memory_space<vmem>>) attributes {dimension_semantics = [#tpu.dimension_semantics<core_parallel>, #tpu.dimension_semantics<subcore_parallel>], iteration_bounds = array<i64: 2, 16>, scalar_prefetch = 0 : i64, scratch_operands = 4 : i64, tpu.core_type = #tpu.core_type<sc_vector_subcore>, window_params = [{transform_indices = #map}, {transform_indices = #map}, {transform_indices = #map1}, {transform_indices = #map1}]} {
    %mul3A = arith.constant 16 : i32
    %mul3A_0 = arith.muli %arg0, %mul3A : i32
    %add3A = arith.addi %mul3A_0, %arg1 : i32
    %mul3A_1 = arith.constant 2048 : i32
    %mul3A_2 = arith.muli %add3A, %mul3A_1 : i32
    %add3A_3 = arith.constant 196608 : i32
    %add3A_4 = arith.addi %add3A_3, %mul3A_2 : i32
    "tpu.region"() ({
      %run_scoped3A = tpu.sem_alloc : memref<!tpu.dma_semaphore, #tpu.memory_space<semaphore_mem>>
      %dma_start3A = tpu.memref_slice %arg2[%add3A_4] : memref<262144xi32, #tpu.memory_space<hbm>> -> memref<2048xi32, #tpu.memory_space<hbm>>
      %dma_start3A_19 = tpu.memref_slice %arg2[%add3A_4] : memref<262144xi32, #tpu.memory_space<hbm>> -> memref<2048xi32, #tpu.memory_space<hbm>>
      tpu.enqueue_dma source(%dma_start3A_19 : memref<2048xi32, #tpu.memory_space<hbm>>) target(%arg6 : memref<2048xi32, #tpu.memory_space<vmem>>) target_semaphore(%run_scoped3A : memref<!tpu.dma_semaphore, #tpu.memory_space<semaphore_mem>>)
      %dma_wait3A = tpu.memref_slice %arg2[%add3A_4] : memref<262144xi32, #tpu.memory_space<hbm>> -> memref<2048xi32, #tpu.memory_space<hbm>>
      %dma_wait3A_20 = tpu.memref_slice %arg2[%add3A_4] : memref<262144xi32, #tpu.memory_space<hbm>> -> memref<2048xi32, #tpu.memory_space<hbm>>
      tpu.wait_dma2 semaphore(%run_scoped3A : memref<!tpu.dma_semaphore, #tpu.memory_space<semaphore_mem>>) src(%dma_wait3A_20 : memref<2048xi32, #tpu.memory_space<hbm>>) dst(%arg6 : memref<2048xi32, #tpu.memory_space<vmem>>)
      tpu.yield
    }) : () -> ()
    "tpu.region"() ({
      %run_scoped3A = tpu.sem_alloc : memref<!tpu.dma_semaphore, #tpu.memory_space<semaphore_mem>>
      %dma_start3A = tpu.memref_slice %arg3[%mul3A_2] : memref<65536xf32, #tpu.memory_space<hbm>> -> memref<2048xf32, #tpu.memory_space<hbm>>
      %dma_start3A_19 = tpu.memref_slice %arg3[%mul3A_2] : memref<65536xf32, #tpu.memory_space<hbm>> -> memref<2048xf32, #tpu.memory_space<hbm>>
      tpu.enqueue_dma source(%dma_start3A_19 : memref<2048xf32, #tpu.memory_space<hbm>>) target(%arg7 : memref<2048xf32, #tpu.memory_space<vmem>>) target_semaphore(%run_scoped3A : memref<!tpu.dma_semaphore, #tpu.memory_space<semaphore_mem>>)
      %dma_wait3A = tpu.memref_slice %arg3[%mul3A_2] : memref<65536xf32, #tpu.memory_space<hbm>> -> memref<2048xf32, #tpu.memory_space<hbm>>
      %dma_wait3A_20 = tpu.memref_slice %arg3[%mul3A_2] : memref<65536xf32, #tpu.memory_space<hbm>> -> memref<2048xf32, #tpu.memory_space<hbm>>
      tpu.wait_dma2 semaphore(%run_scoped3A : memref<!tpu.dma_semaphore, #tpu.memory_space<semaphore_mem>>) src(%dma_wait3A_20 : memref<2048xf32, #tpu.memory_space<hbm>>) dst(%arg7 : memref<2048xf32, #tpu.memory_space<vmem>>)
      tpu.yield
    }) : () -> ()
    %broadcast_in_dim3A = arith.constant 0.000000e+00 : f32
    %broadcast_in_dim3A_5 = vector.broadcast %broadcast_in_dim3A : f32 to vector<16xf32>
    %scan3A = arith.constant 0 : i32
    %scan3A_6 = arith.constant 0 : i32
    %scan3A_7 = arith.constant 64 : i32
    %scan3A_8 = arith.addi %scan3A_6, %scan3A_7 : i32
    %scan3A_9 = arith.constant 1 : i32
    scf.for %scan3A_19 = %scan3A_6 to %scan3A_8 step %scan3A_9  : i32 {
      %mul3A_20 = arith.constant 4 : i32
      %mul3A_21 = arith.muli %scan3A_19, %mul3A_20 : i32
      %add3A_22 = arith.constant 0 : i32
      %add3A_23 = arith.addi %mul3A_21, %add3A_22 : i32
      %mul3A_24 = arith.constant 16 : i32
      %mul3A_25 = arith.muli %add3A_23, %mul3A_24 : i32
      %swap3A = arith.index_cast %mul3A_25 : i32 to index
      %swap3A_26 = tpu.vector_load %arg8[%swap3A] {strides = array<i32>} : memref<4096xf32, #tpu.memory_space<vmem>>, vector<16xf32>,
      tpu.vector_store %arg8[%swap3A], %broadcast_in_dim3A_5 {strides = array<i32>} : memref<4096xf32, #tpu.memory_space<vmem>>, vector<16xf32>,
      %swap3A_27 = arith.index_cast %mul3A_25 : i32 to index
      %swap3A_28 = tpu.vector_load %arg9[%swap3A_27] {strides = array<i32>} : memref<4096xf32, #tpu.memory_space<vmem>>, vector<16xf32>,
      tpu.vector_store %arg9[%swap3A_27], %broadcast_in_dim3A_5 {strides = array<i32>} : memref<4096xf32, #tpu.memory_space<vmem>>, vector<16xf32>,
      %mul3A_29 = arith.constant 4 : i32
      %mul3A_30 = arith.muli %scan3A_19, %mul3A_29 : i32
      %add3A_31 = arith.constant 1 : i32
      %add3A_32 = arith.addi %mul3A_30, %add3A_31 : i32
      %mul3A_33 = arith.constant 16 : i32
      %mul3A_34 = arith.muli %add3A_32, %mul3A_33 : i32
      %swap3A_35 = arith.index_cast %mul3A_34 : i32 to index
      %swap3A_36 = tpu.vector_load %arg8[%swap3A_35] {strides = array<i32>} : memref<4096xf32, #tpu.memory_space<vmem>>, vector<16xf32>,
      tpu.vector_store %arg8[%swap3A_35], %broadcast_in_dim3A_5 {strides = array<i32>} : memref<4096xf32, #tpu.memory_space<vmem>>, vector<16xf32>,
      %swap3A_37 = arith.index_cast %mul3A_34 : i32 to index
      %swap3A_38 = tpu.vector_load %arg9[%swap3A_37] {strides = array<i32>} : memref<4096xf32, #tpu.memory_space<vmem>>, vector<16xf32>,
      tpu.vector_store %arg9[%swap3A_37], %broadcast_in_dim3A_5 {strides = array<i32>} : memref<4096xf32, #tpu.memory_space<vmem>>, vector<16xf32>,
      %mul3A_39 = arith.constant 4 : i32
      %mul3A_40 = arith.muli %scan3A_19, %mul3A_39 : i32
      %add3A_41 = arith.constant 2 : i32
      %add3A_42 = arith.addi %mul3A_40, %add3A_41 : i32
      %mul3A_43 = arith.constant 16 : i32
      %mul3A_44 = arith.muli %add3A_42, %mul3A_43 : i32
      %swap3A_45 = arith.index_cast %mul3A_44 : i32 to index
      %swap3A_46 = tpu.vector_load %arg8[%swap3A_45] {strides = array<i32>} : memref<4096xf32, #tpu.memory_space<vmem>>, vector<16xf32>,
      tpu.vector_store %arg8[%swap3A_45], %broadcast_in_dim3A_5 {strides = array<i32>} : memref<4096xf32, #tpu.memory_space<vmem>>, vector<16xf32>,
      %swap3A_47 = arith.index_cast %mul3A_44 : i32 to index
      %swap3A_48 = tpu.vector_load %arg9[%swap3A_47] {strides = array<i32>} : memref<4096xf32, #tpu.memory_space<vmem>>, vector<16xf32>,
      tpu.vector_store %arg9[%swap3A_47], %broadcast_in_dim3A_5 {strides = array<i32>} : memref<4096xf32, #tpu.memory_space<vmem>>, vector<16xf32>,
      %mul3A_49 = arith.constant 4 : i32
      %mul3A_50 = arith.muli %scan3A_19, %mul3A_49 : i32
      %add3A_51 = arith.constant 3 : i32
      %add3A_52 = arith.addi %mul3A_50, %add3A_51 : i32
      %mul3A_53 = arith.constant 16 : i32
      %mul3A_54 = arith.muli %add3A_52, %mul3A_53 : i32
      %swap3A_55 = arith.index_cast %mul3A_54 : i32 to index
      %swap3A_56 = tpu.vector_load %arg8[%swap3A_55] {strides = array<i32>} : memref<4096xf32, #tpu.memory_space<vmem>>, vector<16xf32>,
      tpu.vector_store %arg8[%swap3A_55], %broadcast_in_dim3A_5 {strides = array<i32>} : memref<4096xf32, #tpu.memory_space<vmem>>, vector<16xf32>,
      %swap3A_57 = arith.index_cast %mul3A_54 : i32 to index
      %swap3A_58 = tpu.vector_load %arg9[%swap3A_57] {strides = array<i32>} : memref<4096xf32, #tpu.memory_space<vmem>>, vector<16xf32>,
      tpu.vector_store %arg9[%swap3A_57], %broadcast_in_dim3A_5 {strides = array<i32>} : memref<4096xf32, #tpu.memory_space<vmem>>, vector<16xf32>,
    }
    %scan3A_10 = arith.constant 64 : i32
    %broadcast_in_dim3A_11 = arith.constant 1.000000e+00 : f32
    %broadcast_in_dim3A_12 = vector.broadcast %broadcast_in_dim3A_11 : f32 to vector<16xf32>
    %scan3A_13 = arith.constant 0 : i32
    %scan3A_14 = arith.constant 0 : i32
    %scan3A_15 = arith.constant 32 : i32
    %scan3A_16 = arith.addi %scan3A_14, %scan3A_15 : i32
    %scan3A_17 = arith.constant 1 : i32
    scf.for %scan3A_19 = %scan3A_14 to %scan3A_16 step %scan3A_17  : i32 {
      %mul3A_20 = arith.constant 4 : i32
      %mul3A_21 = arith.muli %scan3A_19, %mul3A_20 : i32
      %add3A_22 = arith.constant 0 : i32
      %add3A_23 = arith.addi %mul3A_21, %add3A_22 : i32
      %mul3A_24 = arith.constant 16 : i32
      %mul3A_25 = arith.muli %add3A_23, %mul3A_24 : i32
      %get3A = arith.index_cast %mul3A_25 : i32 to index
      %get3A_26 = tpu.vector_load %arg6[%get3A] {strides = array<i32>} : memref<2048xi32, #tpu.memory_space<vmem>>, vector<16xi32>,
      %get3A_27 = arith.index_cast %mul3A_25 : i32 to index
      %get3A_28 = tpu.vector_load %arg7[%get3A_27] {strides = array<i32>} : memref<2048xf32, #tpu.memory_space<vmem>>, vector<16xf32>,
      tpu.vector_store_idx %arg8[%get3A_26], %get3A_28 {add = true} : memref<4096xf32, #tpu.memory_space<vmem>>[vector<16xi32>], vector<16xf32>,
      tpu.vector_store_idx %arg9[%get3A_26], %broadcast_in_dim3A_12 {add = true} : memref<4096xf32, #tpu.memory_space<vmem>>[vector<16xi32>], vector<16xf32>,
      %mul3A_29 = arith.constant 4 : i32
      %mul3A_30 = arith.muli %scan3A_19, %mul3A_29 : i32
      %add3A_31 = arith.constant 1 : i32
      %add3A_32 = arith.addi %mul3A_30, %add3A_31 : i32
      %mul3A_33 = arith.constant 16 : i32
      %mul3A_34 = arith.muli %add3A_32, %mul3A_33 : i32
      %get3A_35 = arith.index_cast %mul3A_34 : i32 to index
      %get3A_36 = tpu.vector_load %arg6[%get3A_35] {strides = array<i32>} : memref<2048xi32, #tpu.memory_space<vmem>>, vector<16xi32>,
      %get3A_37 = arith.index_cast %mul3A_34 : i32 to index
      %get3A_38 = tpu.vector_load %arg7[%get3A_37] {strides = array<i32>} : memref<2048xf32, #tpu.memory_space<vmem>>, vector<16xf32>,
      tpu.vector_store_idx %arg8[%get3A_36], %get3A_38 {add = true} : memref<4096xf32, #tpu.memory_space<vmem>>[vector<16xi32>], vector<16xf32>,
      tpu.vector_store_idx %arg9[%get3A_36], %broadcast_in_dim3A_12 {add = true} : memref<4096xf32, #tpu.memory_space<vmem>>[vector<16xi32>], vector<16xf32>,
      %mul3A_39 = arith.constant 4 : i32
      %mul3A_40 = arith.muli %scan3A_19, %mul3A_39 : i32
      %add3A_41 = arith.constant 2 : i32
      %add3A_42 = arith.addi %mul3A_40, %add3A_41 : i32
      %mul3A_43 = arith.constant 16 : i32
      %mul3A_44 = arith.muli %add3A_42, %mul3A_43 : i32
      %get3A_45 = arith.index_cast %mul3A_44 : i32 to index
      %get3A_46 = tpu.vector_load %arg6[%get3A_45] {strides = array<i32>} : memref<2048xi32, #tpu.memory_space<vmem>>, vector<16xi32>,
      %get3A_47 = arith.index_cast %mul3A_44 : i32 to index
      %get3A_48 = tpu.vector_load %arg7[%get3A_47] {strides = array<i32>} : memref<2048xf32, #tpu.memory_space<vmem>>, vector<16xf32>,
      tpu.vector_store_idx %arg8[%get3A_46], %get3A_48 {add = true} : memref<4096xf32, #tpu.memory_space<vmem>>[vector<16xi32>], vector<16xf32>,
      tpu.vector_store_idx %arg9[%get3A_46], %broadcast_in_dim3A_12 {add = true} : memref<4096xf32, #tpu.memory_space<vmem>>[vector<16xi32>], vector<16xf32>,
      %mul3A_49 = arith.constant 4 : i32
      %mul3A_50 = arith.muli %scan3A_19, %mul3A_49 : i32
      %add3A_51 = arith.constant 3 : i32
      %add3A_52 = arith.addi %mul3A_50, %add3A_51 : i32
      %mul3A_53 = arith.constant 16 : i32
      %mul3A_54 = arith.muli %add3A_52, %mul3A_53 : i32
      %get3A_55 = arith.index_cast %mul3A_54 : i32 to index
      %get3A_56 = tpu.vector_load %arg6[%get3A_55] {strides = array<i32>} : memref<2048xi32, #tpu.memory_space<vmem>>, vector<16xi32>,
      %get3A_57 = arith.index_cast %mul3A_54 : i32 to index
      %get3A_58 = tpu.vector_load %arg7[%get3A_57] {strides = array<i32>} : memref<2048xf32, #tpu.memory_space<vmem>>, vector<16xf32>,
      tpu.vector_store_idx %arg8[%get3A_56], %get3A_58 {add = true} : memref<4096xf32, #tpu.memory_space<vmem>>[vector<16xi32>], vector<16xf32>,
      tpu.vector_store_idx %arg9[%get3A_56], %broadcast_in_dim3A_12 {add = true} : memref<4096xf32, #tpu.memory_space<vmem>>[vector<16xi32>], vector<16xf32>,
    }
    %scan3A_18 = arith.constant 32 : i32
    "tpu.region"() ({
      %run_scoped3A = tpu.sem_alloc : memref<!tpu.dma_semaphore, #tpu.memory_space<semaphore_mem>>
      %dma_start3A = arith.constant 0 : i32
      %dma_start3A_19 = tpu.memref_slice %arg4[%add3A, %dma_start3A] : memref<32x4096xf32, #tpu.memory_space<hbm>> -> memref<1x4096xf32, #tpu.memory_space<hbm>>
      %dma_start3A_20 = tpu.memref_squeeze %dma_start3A_19 : memref<1x4096xf32, #tpu.memory_space<hbm>> -> memref<4096xf32, #tpu.memory_space<hbm>>
      %dma_start3A_21 = arith.constant 0 : i32
      %dma_start3A_22 = tpu.memref_slice %arg4[%add3A, %dma_start3A_21] : memref<32x4096xf32, #tpu.memory_space<hbm>> -> memref<1x4096xf32, #tpu.memory_space<hbm>>
      %dma_start3A_23 = tpu.memref_squeeze %dma_start3A_22 : memref<1x4096xf32, #tpu.memory_space<hbm>> -> memref<4096xf32, #tpu.memory_space<hbm>>
      tpu.enqueue_dma source(%arg8 : memref<4096xf32, #tpu.memory_space<vmem>>) target(%dma_start3A_23 : memref<4096xf32, #tpu.memory_space<hbm>>) target_semaphore(%run_scoped3A : memref<!tpu.dma_semaphore, #tpu.memory_space<semaphore_mem>>)
      %dma_wait3A = arith.constant 0 : i32
      %dma_wait3A_24 = tpu.memref_slice %arg4[%add3A, %dma_wait3A] : memref<32x4096xf32, #tpu.memory_space<hbm>> -> memref<1x4096xf32, #tpu.memory_space<hbm>>
      %dma_wait3A_25 = tpu.memref_squeeze %dma_wait3A_24 : memref<1x4096xf32, #tpu.memory_space<hbm>> -> memref<4096xf32, #tpu.memory_space<hbm>>
      %dma_wait3A_26 = arith.constant 0 : i32
      %dma_wait3A_27 = tpu.memref_slice %arg4[%add3A, %dma_wait3A_26] : memref<32x4096xf32, #tpu.memory_space<hbm>> -> memref<1x4096xf32, #tpu.memory_space<hbm>>
      %dma_wait3A_28 = tpu.memref_squeeze %dma_wait3A_27 : memref<1x4096xf32, #tpu.memory_space<hbm>> -> memref<4096xf32, #tpu.memory_space<hbm>>
      tpu.wait_dma2 semaphore(%run_scoped3A : memref<!tpu.dma_semaphore, #tpu.memory_space<semaphore_mem>>) src(%arg8 : memref<4096xf32, #tpu.memory_space<vmem>>) dst(%dma_wait3A_28 : memref<4096xf32, #tpu.memory_space<hbm>>)
      tpu.yield
    }) : () -> ()
    "tpu.region"() ({
      %run_scoped3A = tpu.sem_alloc : memref<!tpu.dma_semaphore, #tpu.memory_space<semaphore_mem>>
      %dma_start3A = arith.constant 0 : i32
      %dma_start3A_19 = tpu.memref_slice %arg5[%add3A, %dma_start3A] : memref<32x4096xf32, #tpu.memory_space<hbm>> -> memref<1x4096xf32, #tpu.memory_space<hbm>>
      %dma_start3A_20 = tpu.memref_squeeze %dma_start3A_19 : memref<1x4096xf32, #tpu.memory_space<hbm>> -> memref<4096xf32, #tpu.memory_space<hbm>>
      %dma_start3A_21 = arith.constant 0 : i32
      %dma_start3A_22 = tpu.memref_slice %arg5[%add3A, %dma_start3A_21] : memref<32x4096xf32, #tpu.memory_space<hbm>> -> memref<1x4096xf32, #tpu.memory_space<hbm>>
      %dma_start3A_23 = tpu.memref_squeeze %dma_start3A_22 : memref<1x4096xf32, #tpu.memory_space<hbm>> -> memref<4096xf32, #tpu.memory_space<hbm>>
      tpu.enqueue_dma source(%arg9 : memref<4096xf32, #tpu.memory_space<vmem>>) target(%dma_start3A_23 : memref<4096xf32, #tpu.memory_space<hbm>>) target_semaphore(%run_scoped3A : memref<!tpu.dma_semaphore, #tpu.memory_space<semaphore_mem>>)
      %dma_wait3A = arith.constant 0 : i32
      %dma_wait3A_24 = tpu.memref_slice %arg5[%add3A, %dma_wait3A] : memref<32x4096xf32, #tpu.memory_space<hbm>> -> memref<1x4096xf32, #tpu.memory_space<hbm>>
      %dma_wait3A_25 = tpu.memref_squeeze %dma_wait3A_24 : memref<1x4096xf32, #tpu.memory_space<hbm>> -> memref<4096xf32, #tpu.memory_space<hbm>>
      %dma_wait3A_26 = arith.constant 0 : i32
      %dma_wait3A_27 = tpu.memref_slice %arg5[%add3A, %dma_wait3A_26] : memref<32x4096xf32, #tpu.memory_space<hbm>> -> memref<1x4096xf32, #tpu.memory_space<hbm>>
      %dma_wait3A_28 = tpu.memref_squeeze %dma_wait3A_27 : memref<1x4096xf32, #tpu.memory_space<hbm>> -> memref<4096xf32, #tpu.memory_space<hbm>>
      tpu.wait_dma2 semaphore(%run_scoped3A : memref<!tpu.dma_semaphore, #tpu.memory_space<semaphore_mem>>) src(%arg9 : memref<4096xf32, #tpu.memory_space<vmem>>) dst(%dma_wait3A_28 : memref<4096xf32, #tpu.memory_space<hbm>>)
      tpu.yield
    }) : () -> ()
    return
  }
}

module attributes {stable_mosaic.version = 14 : i64} {
  func.func @body(%arg0: i32, %arg1: memref<8x8192xf32, #tpu.memory_space<vmem>>, %arg2: memref<8192x128xf32, #tpu.memory_space<vmem>>, %arg3: memref<8192x128xf32, #tpu.memory_space<vmem>>, %arg4: memref<32x4096xf32, #tpu.memory_space<vmem>>, %arg5: memref<8192xf32, #tpu.memory_space<vmem>>, %arg6: memref<1x1xf32, #tpu.memory_space<smem>>) attributes {dimension_semantics = [#tpu.dimension_semantics<arbitrary>], iteration_bounds = array<i64: 8>, scalar_prefetch = 0 : i64, scratch_operands = 0 : i64, tpu.core_type = #tpu.core_type<tc>, window_params = [{transform_indices = @transform_0, window_bounds = array<i64: 8, 8192>}, {transform_indices = @transform_1, window_bounds = array<i64: 8192, 128>}, {transform_indices = @transform_2, window_bounds = array<i64: 8192, 128>}, {pipeline_mode = #tpu.pipeline_mode<synchronous>, transform_indices = @transform_3, window_bounds = array<i64: 32, 4096>}, {transform_indices = @transform_4, window_bounds = array<i64: 8192>}, {transform_indices = @transform_5, window_bounds = array<i64: 1, 1>}]} {
    %get3A = arith.constant 0 : index
    %get3A_0 = arith.constant 0 : index
    %get3A_1 = vector.load %arg3[%get3A, %get3A_0] : memref<8192x128xf32, #tpu.memory_space<vmem>>, vector<8192x128xf32>
    %get3A_2 = arith.constant 0 : index
    %get3A_3 = arith.constant 0 : index
    %get3A_4 = vector.load %arg2[%get3A_2, %get3A_3] : memref<8192x128xf32, #tpu.memory_space<vmem>>, vector<8192x128xf32>
    %sub3A = arith.subf %get3A_1, %get3A_4 : vector<8192x128xf32>
    %broadcast_in_dim3A = arith.constant 1.000000e+00 : f32
    %broadcast_in_dim3A_5 = vector.broadcast %broadcast_in_dim3A : f32 to vector<1x128xf32>
    %mul3A = arith.mulf %sub3A, %sub3A : vector<8192x128xf32>
    %dot_general3A = arith.constant dense<0.000000e+00> : vector<1x8192xf32>
    %dot_general3A_6 = tpu.matmul %broadcast_in_dim3A_5, %mul3A, %dot_general3A {dimension_numbers = #tpu.dot_dimension_numbers<[1], [1], [0], [0], [0, 0, 1, 0], [], []>, transpose_lhs_hint = false} : vector<1x128xf32>, vector<8192x128xf32>, vector<1x8192xf32> -> vector<1x8192xf32>
    %get3A_7 = arith.constant 6 : index
    %get3A_8 = arith.constant 0 : index
    %get3A_9 = vector.load %arg1[%get3A_7, %get3A_8] : memref<8x8192xf32, #tpu.memory_space<vmem>>, vector<1x8192xf32>
    %mul3A_10 = arith.mulf %get3A_9, %get3A_9 : vector<1x8192xf32>
    %broadcast_in_dim3A_11 = arith.constant 0.000000e+00 : f32
    %broadcast_in_dim3A_12 = vector.broadcast %broadcast_in_dim3A_11 : f32 to vector<1x8192xf32>
    %get3A_13 = arith.constant 0 : index
    %get3A_14 = arith.constant 0 : index
    %get3A_15 = vector.load %arg1[%get3A_13, %get3A_14] : memref<8x8192xf32, #tpu.memory_space<vmem>>, vector<1x8192xf32>
    %div3A = arith.divf %get3A_15, %mul3A_10 : vector<1x8192xf32>
    %get3A_16 = arith.constant 3 : index
    %get3A_17 = arith.constant 0 : index
    %get3A_18 = vector.load %arg1[%get3A_16, %get3A_17] : memref<8x8192xf32, #tpu.memory_space<vmem>>, vector<1x8192xf32>
    %sub3A_19 = arith.subf %div3A, %get3A_18 : vector<1x8192xf32>
    %mul3A_20 = arith.mulf %sub3A_19, %sub3A_19 : vector<1x8192xf32>
    %add3A = arith.addf %broadcast_in_dim3A_12, %mul3A_20 : vector<1x8192xf32>
    %get3A_21 = arith.constant 1 : index
    %get3A_22 = arith.constant 0 : index
    %get3A_23 = vector.load %arg1[%get3A_21, %get3A_22] : memref<8x8192xf32, #tpu.memory_space<vmem>>, vector<1x8192xf32>
    %div3A_24 = arith.divf %get3A_23, %mul3A_10 : vector<1x8192xf32>
    %get3A_25 = arith.constant 4 : index
    %get3A_26 = arith.constant 0 : index
    %get3A_27 = vector.load %arg1[%get3A_25, %get3A_26] : memref<8x8192xf32, #tpu.memory_space<vmem>>, vector<1x8192xf32>
    %sub3A_28 = arith.subf %div3A_24, %get3A_27 : vector<1x8192xf32>
    %mul3A_29 = arith.mulf %sub3A_28, %sub3A_28 : vector<1x8192xf32>
    %add3A_30 = arith.addf %add3A, %mul3A_29 : vector<1x8192xf32>
    %get3A_31 = arith.constant 2 : index
    %get3A_32 = arith.constant 0 : index
    %get3A_33 = vector.load %arg1[%get3A_31, %get3A_32] : memref<8x8192xf32, #tpu.memory_space<vmem>>, vector<1x8192xf32>
    %div3A_34 = arith.divf %get3A_33, %mul3A_10 : vector<1x8192xf32>
    %get3A_35 = arith.constant 5 : index
    %get3A_36 = arith.constant 0 : index
    %get3A_37 = vector.load %arg1[%get3A_35, %get3A_36] : memref<8x8192xf32, #tpu.memory_space<vmem>>, vector<1x8192xf32>
    %sub3A_38 = arith.subf %div3A_34, %get3A_37 : vector<1x8192xf32>
    %mul3A_39 = arith.mulf %sub3A_38, %sub3A_38 : vector<1x8192xf32>
    %add3A_40 = arith.addf %add3A_30, %mul3A_39 : vector<1x8192xf32>
    %mul3A_41 = arith.constant 5.000000e-01 : f32
    %mul3A_42 = vector.broadcast %mul3A_41 : f32 to vector<1x8192xf32>
    %mul3A_43 = arith.mulf %mul3A_42, %mul3A_10 : vector<1x8192xf32>
    %mul3A_44 = arith.mulf %mul3A_43, %add3A_40 : vector<1x8192xf32>
    %add3A_45 = arith.addf %dot_general3A_6, %mul3A_44 : vector<1x8192xf32>
    %reshape3A = vector.shape_cast %add3A_45 : vector<1x8192xf32> to vector<8192xf32>
    %swap3A = arith.constant 0 : index
    %swap3A_46 = vector.load %arg5[%swap3A] : memref<8192xf32, #tpu.memory_space<vmem>>, vector<8192xf32>
    tpu.vector_store %arg5[%swap3A], %reshape3A {strides = array<i32>} : memref<8192xf32, #tpu.memory_space<vmem>>, vector<8192xf32>,
    %eq3A = arith.constant 0 : i32
    %eq3A_47 = arith.cmpi eq, %arg0, %eq3A : i32
    %convert_element_type3A = arith.extui %eq3A_47 : i1 to i32
    %cond3A = arith.constant 0 : i32
    %cond3A_48 = arith.cmpi ne, %convert_element_type3A, %cond3A : i32
    scf.if %cond3A_48 {
      %swap3A_49 = arith.constant 0.000000e+00 : f32
      %swap3A_50 = arith.constant 0 : index
      %swap3A_51 = arith.constant 0 : index
      %swap3A_52 = memref.load %arg6[%swap3A_50, %swap3A_51] : memref<1x1xf32, #tpu.memory_space<smem>>
      memref.store %swap3A_49, %arg6[%swap3A_50, %swap3A_51] : memref<1x1xf32, #tpu.memory_space<smem>>
    } else {
    }
    return
  }
  func.func @transform_0(%arg0: i32) -> (i32, i32) {
    %add3A = arith.constant 24 : i32
    %add3A_0 = arith.addi %arg0, %add3A : i32
    %c0_i32 = arith.constant 0 : i32
    %c0_i32_1 = arith.constant 0 : i32
    return %c0_i32, %add3A_0 : i32, i32
  }
  func.func @transform_1(%arg0: i32) -> (i32, i32) {
    %add3A = arith.constant 24 : i32
    %add3A_0 = arith.addi %arg0, %add3A : i32
    %c0_i32 = arith.constant 0 : i32
    %c0_i32_1 = arith.constant 0 : i32
    return %add3A_0, %c0_i32 : i32, i32
  }
  func.func @transform_2(%arg0: i32) -> (i32, i32) {
    %add3A = arith.constant 24 : i32
    %add3A_0 = arith.addi %arg0, %add3A : i32
    %c0_i32 = arith.constant 0 : i32
    %c0_i32_1 = arith.constant 0 : i32
    return %add3A_0, %c0_i32 : i32, i32
  }
  func.func @transform_3(%arg0: i32) -> (i32, i32) {
    %c0_i32 = arith.constant 0 : i32
    %c0_i32_0 = arith.constant 0 : i32
    %c0_i32_1 = arith.constant 0 : i32
    return %c0_i32, %c0_i32_0 : i32, i32
  }
  func.func @transform_4(%arg0: i32) -> i32 {
    %c0_i32 = arith.constant 0 : i32
    return %arg0 : i32
  }
  func.func @transform_5(%arg0: i32) -> (i32, i32) {
    %c0_i32 = arith.constant 0 : i32
    %c0_i32_0 = arith.constant 0 : i32
    %c0_i32_1 = arith.constant 0 : i32
    return %c0_i32, %c0_i32_0 : i32, i32
  }
}

module attributes {stable_mosaic.version = 14 : i64} {
  func.func @body(%arg0: i32, %arg1: memref<8x8192xf32, #tpu.memory_space<vmem>>, %arg2: memref<8192x128xf32, #tpu.memory_space<vmem>>, %arg3: memref<8192x128xf32, #tpu.memory_space<vmem>>, %arg4: memref<32x4096xf32, #tpu.memory_space<vmem>>, %arg5: memref<8192xf32, #tpu.memory_space<vmem>>, %arg6: memref<1x1xf32, #tpu.memory_space<smem>>) attributes {dimension_semantics = [#tpu.dimension_semantics<arbitrary>], iteration_bounds = array<i64: 24>, scalar_prefetch = 0 : i64, scratch_operands = 0 : i64, tpu.core_type = #tpu.core_type<tc>, window_params = [{transform_indices = @transform_0, window_bounds = array<i64: 8, 8192>}, {transform_indices = @transform_1, window_bounds = array<i64: 8192, 128>}, {transform_indices = @transform_2, window_bounds = array<i64: 8192, 128>}, {pipeline_mode = #tpu.pipeline_mode<synchronous>, transform_indices = @transform_3, window_bounds = array<i64: 32, 4096>}, {transform_indices = @transform_4, window_bounds = array<i64: 8192>}, {transform_indices = @transform_5, window_bounds = array<i64: 1, 1>}]} {
    %get3A = arith.constant 0 : index
    %get3A_0 = arith.constant 0 : index
    %get3A_1 = vector.load %arg3[%get3A, %get3A_0] : memref<8192x128xf32, #tpu.memory_space<vmem>>, vector<8192x128xf32>
    %get3A_2 = arith.constant 0 : index
    %get3A_3 = arith.constant 0 : index
    %get3A_4 = vector.load %arg2[%get3A_2, %get3A_3] : memref<8192x128xf32, #tpu.memory_space<vmem>>, vector<8192x128xf32>
    %sub3A = arith.subf %get3A_1, %get3A_4 : vector<8192x128xf32>
    %broadcast_in_dim3A = arith.constant 1.000000e+00 : f32
    %broadcast_in_dim3A_5 = vector.broadcast %broadcast_in_dim3A : f32 to vector<1x128xf32>
    %mul3A = arith.mulf %sub3A, %sub3A : vector<8192x128xf32>
    %dot_general3A = arith.constant dense<0.000000e+00> : vector<1x8192xf32>
    %dot_general3A_6 = tpu.matmul %broadcast_in_dim3A_5, %mul3A, %dot_general3A {dimension_numbers = #tpu.dot_dimension_numbers<[1], [1], [0], [0], [0, 0, 1, 0], [], []>, transpose_lhs_hint = false} : vector<1x128xf32>, vector<8192x128xf32>, vector<1x8192xf32> -> vector<1x8192xf32>
    %get3A_7 = arith.constant 6 : index
    %get3A_8 = arith.constant 0 : index
    %get3A_9 = vector.load %arg1[%get3A_7, %get3A_8] : memref<8x8192xf32, #tpu.memory_space<vmem>>, vector<1x8192xf32>
    %mul3A_10 = arith.mulf %get3A_9, %get3A_9 : vector<1x8192xf32>
    %broadcast_in_dim3A_11 = arith.constant 0.000000e+00 : f32
    %broadcast_in_dim3A_12 = vector.broadcast %broadcast_in_dim3A_11 : f32 to vector<1x8192xf32>
    %get3A_13 = arith.constant 0 : index
    %get3A_14 = arith.constant 0 : index
    %get3A_15 = vector.load %arg1[%get3A_13, %get3A_14] : memref<8x8192xf32, #tpu.memory_space<vmem>>, vector<1x8192xf32>
    %div3A = arith.divf %get3A_15, %mul3A_10 : vector<1x8192xf32>
    %get3A_16 = arith.constant 3 : index
    %get3A_17 = arith.constant 0 : index
    %get3A_18 = vector.load %arg1[%get3A_16, %get3A_17] : memref<8x8192xf32, #tpu.memory_space<vmem>>, vector<1x8192xf32>
    %sub3A_19 = arith.subf %div3A, %get3A_18 : vector<1x8192xf32>
    %mul3A_20 = arith.mulf %sub3A_19, %sub3A_19 : vector<1x8192xf32>
    %add3A = arith.addf %broadcast_in_dim3A_12, %mul3A_20 : vector<1x8192xf32>
    %get3A_21 = arith.constant 1 : index
    %get3A_22 = arith.constant 0 : index
    %get3A_23 = vector.load %arg1[%get3A_21, %get3A_22] : memref<8x8192xf32, #tpu.memory_space<vmem>>, vector<1x8192xf32>
    %div3A_24 = arith.divf %get3A_23, %mul3A_10 : vector<1x8192xf32>
    %get3A_25 = arith.constant 4 : index
    %get3A_26 = arith.constant 0 : index
    %get3A_27 = vector.load %arg1[%get3A_25, %get3A_26] : memref<8x8192xf32, #tpu.memory_space<vmem>>, vector<1x8192xf32>
    %sub3A_28 = arith.subf %div3A_24, %get3A_27 : vector<1x8192xf32>
    %mul3A_29 = arith.mulf %sub3A_28, %sub3A_28 : vector<1x8192xf32>
    %add3A_30 = arith.addf %add3A, %mul3A_29 : vector<1x8192xf32>
    %get3A_31 = arith.constant 2 : index
    %get3A_32 = arith.constant 0 : index
    %get3A_33 = vector.load %arg1[%get3A_31, %get3A_32] : memref<8x8192xf32, #tpu.memory_space<vmem>>, vector<1x8192xf32>
    %div3A_34 = arith.divf %get3A_33, %mul3A_10 : vector<1x8192xf32>
    %get3A_35 = arith.constant 5 : index
    %get3A_36 = arith.constant 0 : index
    %get3A_37 = vector.load %arg1[%get3A_35, %get3A_36] : memref<8x8192xf32, #tpu.memory_space<vmem>>, vector<1x8192xf32>
    %sub3A_38 = arith.subf %div3A_34, %get3A_37 : vector<1x8192xf32>
    %mul3A_39 = arith.mulf %sub3A_38, %sub3A_38 : vector<1x8192xf32>
    %add3A_40 = arith.addf %add3A_30, %mul3A_39 : vector<1x8192xf32>
    %mul3A_41 = arith.constant 5.000000e-01 : f32
    %mul3A_42 = vector.broadcast %mul3A_41 : f32 to vector<1x8192xf32>
    %mul3A_43 = arith.mulf %mul3A_42, %mul3A_10 : vector<1x8192xf32>
    %mul3A_44 = arith.mulf %mul3A_43, %add3A_40 : vector<1x8192xf32>
    %add3A_45 = arith.addf %dot_general3A_6, %mul3A_44 : vector<1x8192xf32>
    %reshape3A = vector.shape_cast %add3A_45 : vector<1x8192xf32> to vector<8192xf32>
    %swap3A = arith.constant 0 : index
    %swap3A_46 = vector.load %arg5[%swap3A] : memref<8192xf32, #tpu.memory_space<vmem>>, vector<8192xf32>
    tpu.vector_store %arg5[%swap3A], %reshape3A {strides = array<i32>} : memref<8192xf32, #tpu.memory_space<vmem>>, vector<8192xf32>,
    %eq3A = arith.constant 0 : i32
    %eq3A_47 = arith.cmpi eq, %arg0, %eq3A : i32
    %convert_element_type3A = arith.extui %eq3A_47 : i1 to i32
    %cond3A = arith.constant 0 : i32
    %cond3A_48 = arith.cmpi ne, %convert_element_type3A, %cond3A : i32
    scf.if %cond3A_48 {
      %broadcast_in_dim3A_49 = arith.constant 0.000000e+00 : f32
      %broadcast_in_dim3A_50 = vector.broadcast %broadcast_in_dim3A_49 : f32 to vector<4096xf32>
      %broadcast_in_dim3A_51 = arith.constant 0.000000e+00 : f32
      %broadcast_in_dim3A_52 = vector.broadcast %broadcast_in_dim3A_51 : f32 to vector<4096xf32>
      %get3A_53 = arith.constant 0 : index
      %get3A_54 = arith.constant 0 : index
      %get3A_55 = vector.load %arg4[%get3A_53, %get3A_54] : memref<32x4096xf32, #tpu.memory_space<vmem>>, vector<1x4096xf32>
      %get3A_56 = vector.shape_cast %get3A_55 : vector<1x4096xf32> to vector<4096xf32>
      %get3A_57 = arith.constant 9 : index
      %get3A_58 = arith.constant 0 : index
      %get3A_59 = vector.load %arg4[%get3A_57, %get3A_58] : memref<32x4096xf32, #tpu.memory_space<vmem>>, vector<1x4096xf32>
      %get3A_60 = vector.shape_cast %get3A_59 : vector<1x4096xf32> to vector<4096xf32>
      %mul3A_61 = arith.mulf %get3A_56, %get3A_60 : vector<4096xf32>
      %add3A_62 = arith.addf %broadcast_in_dim3A_52, %mul3A_61 : vector<4096xf32>
      %get3A_63 = arith.constant 1 : index
      %get3A_64 = arith.constant 0 : index
      %get3A_65 = vector.load %arg4[%get3A_63, %get3A_64] : memref<32x4096xf32, #tpu.memory_space<vmem>>, vector<1x4096xf32>
      %get3A_66 = vector.shape_cast %get3A_65 : vector<1x4096xf32> to vector<4096xf32>
      %get3A_67 = arith.constant 12 : index
      %get3A_68 = arith.constant 0 : index
      %get3A_69 = vector.load %arg4[%get3A_67, %get3A_68] : memref<32x4096xf32, #tpu.memory_space<vmem>>, vector<1x4096xf32>
      %get3A_70 = vector.shape_cast %get3A_69 : vector<1x4096xf32> to vector<4096xf32>
      %mul3A_71 = arith.mulf %get3A_66, %get3A_70 : vector<4096xf32>
      %add3A_72 = arith.addf %add3A_62, %mul3A_71 : vector<4096xf32>
      %get3A_73 = arith.constant 2 : index
      %get3A_74 = arith.constant 0 : index
      %get3A_75 = vector.load %arg4[%get3A_73, %get3A_74] : memref<32x4096xf32, #tpu.memory_space<vmem>>, vector<1x4096xf32>
      %get3A_76 = vector.shape_cast %get3A_75 : vector<1x4096xf32> to vector<4096xf32>
      %get3A_77 = arith.constant 15 : index
      %get3A_78 = arith.constant 0 : index
      %get3A_79 = vector.load %arg4[%get3A_77, %get3A_78] : memref<32x4096xf32, #tpu.memory_space<vmem>>, vector<1x4096xf32>
      %get3A_80 = vector.shape_cast %get3A_79 : vector<1x4096xf32> to vector<4096xf32>
      %mul3A_81 = arith.mulf %get3A_76, %get3A_80 : vector<4096xf32>
      %add3A_82 = arith.addf %add3A_72, %mul3A_81 : vector<4096xf32>
      %get3A_83 = arith.constant 18 : index
      %get3A_84 = arith.constant 0 : index
      %get3A_85 = vector.load %arg4[%get3A_83, %get3A_84] : memref<32x4096xf32, #tpu.memory_space<vmem>>, vector<1x4096xf32>
      %get3A_86 = vector.shape_cast %get3A_85 : vector<1x4096xf32> to vector<4096xf32>
      %sub3A_87 = arith.subf %get3A_86, %add3A_82 : vector<4096xf32>
      %mul3A_88 = arith.mulf %sub3A_87, %sub3A_87 : vector<4096xf32>
      %add3A_89 = arith.addf %broadcast_in_dim3A_50, %mul3A_88 : vector<4096xf32>
      %broadcast_in_dim3A_90 = arith.constant 0.000000e+00 : f32
      %broadcast_in_dim3A_91 = vector.broadcast %broadcast_in_dim3A_90 : f32 to vector<4096xf32>
      %get3A_92 = arith.constant 0 : index
      %get3A_93 = arith.constant 0 : index
      %get3A_94 = vector.load %arg4[%get3A_92, %get3A_93] : memref<32x4096xf32, #tpu.memory_space<vmem>>, vector<1x4096xf32>
      %get3A_95 = vector.shape_cast %get3A_94 : vector<1x4096xf32> to vector<4096xf32>
      %get3A_96 = arith.constant 10 : index
      %get3A_97 = arith.constant 0 : index
      %get3A_98 = vector.load %arg4[%get3A_96, %get3A_97] : memref<32x4096xf32, #tpu.memory_space<vmem>>, vector<1x4096xf32>
      %get3A_99 = vector.shape_cast %get3A_98 : vector<1x4096xf32> to vector<4096xf32>
      %mul3A_100 = arith.mulf %get3A_95, %get3A_99 : vector<4096xf32>
      %add3A_101 = arith.addf %broadcast_in_dim3A_91, %mul3A_100 : vector<4096xf32>
      %get3A_102 = arith.constant 1 : index
      %get3A_103 = arith.constant 0 : index
      %get3A_104 = vector.load %arg4[%get3A_102, %get3A_103] : memref<32x4096xf32, #tpu.memory_space<vmem>>, vector<1x4096xf32>
      %get3A_105 = vector.shape_cast %get3A_104 : vector<1x4096xf32> to vector<4096xf32>
      %get3A_106 = arith.constant 13 : index
      %get3A_107 = arith.constant 0 : index
      %get3A_108 = vector.load %arg4[%get3A_106, %get3A_107] : memref<32x4096xf32, #tpu.memory_space<vmem>>, vector<1x4096xf32>
      %get3A_109 = vector.shape_cast %get3A_108 : vector<1x4096xf32> to vector<4096xf32>
      %mul3A_110 = arith.mulf %get3A_105, %get3A_109 : vector<4096xf32>
      %add3A_111 = arith.addf %add3A_101, %mul3A_110 : vector<4096xf32>
      %get3A_112 = arith.constant 2 : index
      %get3A_113 = arith.constant 0 : index
      %get3A_114 = vector.load %arg4[%get3A_112, %get3A_113] : memref<32x4096xf32, #tpu.memory_space<vmem>>, vector<1x4096xf32>
      %get3A_115 = vector.shape_cast %get3A_114 : vector<1x4096xf32> to vector<4096xf32>
      %get3A_116 = arith.constant 16 : index
      %get3A_117 = arith.constant 0 : index
      %get3A_118 = vector.load %arg4[%get3A_116, %get3A_117] : memref<32x4096xf32, #tpu.memory_space<vmem>>, vector<1x4096xf32>
      %get3A_119 = vector.shape_cast %get3A_118 : vector<1x4096xf32> to vector<4096xf32>
      %mul3A_120 = arith.mulf %get3A_115, %get3A_119 : vector<4096xf32>
      %add3A_121 = arith.addf %add3A_111, %mul3A_120 : vector<4096xf32>
      %get3A_122 = arith.constant 19 : index
      %get3A_123 = arith.constant 0 : index
      %get3A_124 = vector.load %arg4[%get3A_122, %get3A_123] : memref<32x4096xf32, #tpu.memory_space<vmem>>, vector<1x4096xf32>
      %get3A_125 = vector.shape_cast %get3A_124 : vector<1x4096xf32> to vector<4096xf32>
      %sub3A_126 = arith.subf %get3A_125, %add3A_121 : vector<4096xf32>
      %mul3A_127 = arith.mulf %sub3A_126, %sub3A_126 : vector<4096xf32>
      %add3A_128 = arith.addf %add3A_89, %mul3A_127 : vector<4096xf32>
      %broadcast_in_dim3A_129 = arith.constant 0.000000e+00 : f32
      %broadcast_in_dim3A_130 = vector.broadcast %broadcast_in_dim3A_129 : f32 to vector<4096xf32>
      %get3A_131 = arith.constant 0 : index
      %get3A_132 = arith.constant 0 : index
      %get3A_133 = vector.load %arg4[%get3A_131, %get3A_132] : memref<32x4096xf32, #tpu.memory_space<vmem>>, vector<1x4096xf32>
      %get3A_134 = vector.shape_cast %get3A_133 : vector<1x4096xf32> to vector<4096xf32>
      %get3A_135 = arith.constant 11 : index
      %get3A_136 = arith.constant 0 : index
      %get3A_137 = vector.load %arg4[%get3A_135, %get3A_136] : memref<32x4096xf32, #tpu.memory_space<vmem>>, vector<1x4096xf32>
      %get3A_138 = vector.shape_cast %get3A_137 : vector<1x4096xf32> to vector<4096xf32>
      %mul3A_139 = arith.mulf %get3A_134, %get3A_138 : vector<4096xf32>
      %add3A_140 = arith.addf %broadcast_in_dim3A_130, %mul3A_139 : vector<4096xf32>
      %get3A_141 = arith.constant 1 : index
      %get3A_142 = arith.constant 0 : index
      %get3A_143 = vector.load %arg4[%get3A_141, %get3A_142] : memref<32x4096xf32, #tpu.memory_space<vmem>>, vector<1x4096xf32>
      %get3A_144 = vector.shape_cast %get3A_143 : vector<1x4096xf32> to vector<4096xf32>
      %get3A_145 = arith.constant 14 : index
      %get3A_146 = arith.constant 0 : index
      %get3A_147 = vector.load %arg4[%get3A_145, %get3A_146] : memref<32x4096xf32, #tpu.memory_space<vmem>>, vector<1x4096xf32>
      %get3A_148 = vector.shape_cast %get3A_147 : vector<1x4096xf32> to vector<4096xf32>
      %mul3A_149 = arith.mulf %get3A_144, %get3A_148 : vector<4096xf32>
      %add3A_150 = arith.addf %add3A_140, %mul3A_149 : vector<4096xf32>
      %get3A_151 = arith.constant 2 : index
      %get3A_152 = arith.constant 0 : index
      %get3A_153 = vector.load %arg4[%get3A_151, %get3A_152] : memref<32x4096xf32, #tpu.memory_space<vmem>>, vector<1x4096xf32>
      %get3A_154 = vector.shape_cast %get3A_153 : vector<1x4096xf32> to vector<4096xf32>
      %get3A_155 = arith.constant 17 : index
      %get3A_156 = arith.constant 0 : index
      %get3A_157 = vector.load %arg4[%get3A_155, %get3A_156] : memref<32x4096xf32, #tpu.memory_space<vmem>>, vector<1x4096xf32>
      %get3A_158 = vector.shape_cast %get3A_157 : vector<1x4096xf32> to vector<4096xf32>
      %mul3A_159 = arith.mulf %get3A_154, %get3A_158 : vector<4096xf32>
      %add3A_160 = arith.addf %add3A_150, %mul3A_159 : vector<4096xf32>
      %get3A_161 = arith.constant 20 : index
      %get3A_162 = arith.constant 0 : index
      %get3A_163 = vector.load %arg4[%get3A_161, %get3A_162] : memref<32x4096xf32, #tpu.memory_space<vmem>>, vector<1x4096xf32>
      %get3A_164 = vector.shape_cast %get3A_163 : vector<1x4096xf32> to vector<4096xf32>
      %sub3A_165 = arith.subf %get3A_164, %add3A_160 : vector<4096xf32>
      %mul3A_166 = arith.mulf %sub3A_165, %sub3A_165 : vector<4096xf32>
      %add3A_167 = arith.addf %add3A_128, %mul3A_166 : vector<4096xf32>
      %broadcast_in_dim3A_168 = arith.constant 0.000000e+00 : f32
      %broadcast_in_dim3A_169 = vector.broadcast %broadcast_in_dim3A_168 : f32 to vector<4096xf32>
      %get3A_170 = arith.constant 3 : index
      %get3A_171 = arith.constant 0 : index
      %get3A_172 = vector.load %arg4[%get3A_170, %get3A_171] : memref<32x4096xf32, #tpu.memory_space<vmem>>, vector<1x4096xf32>
      %get3A_173 = vector.shape_cast %get3A_172 : vector<1x4096xf32> to vector<4096xf32>
      %get3A_174 = arith.constant 9 : index
      %get3A_175 = arith.constant 0 : index
      %get3A_176 = vector.load %arg4[%get3A_174, %get3A_175] : memref<32x4096xf32, #tpu.memory_space<vmem>>, vector<1x4096xf32>
      %get3A_177 = vector.shape_cast %get3A_176 : vector<1x4096xf32> to vector<4096xf32>
      %mul3A_178 = arith.mulf %get3A_173, %get3A_177 : vector<4096xf32>
      %add3A_179 = arith.addf %broadcast_in_dim3A_169, %mul3A_178 : vector<4096xf32>
      %get3A_180 = arith.constant 4 : index
      %get3A_181 = arith.constant 0 : index
      %get3A_182 = vector.load %arg4[%get3A_180, %get3A_181] : memref<32x4096xf32, #tpu.memory_space<vmem>>, vector<1x4096xf32>
      %get3A_183 = vector.shape_cast %get3A_182 : vector<1x4096xf32> to vector<4096xf32>
      %get3A_184 = arith.constant 12 : index
      %get3A_185 = arith.constant 0 : index
      %get3A_186 = vector.load %arg4[%get3A_184, %get3A_185] : memref<32x4096xf32, #tpu.memory_space<vmem>>, vector<1x4096xf32>
      %get3A_187 = vector.shape_cast %get3A_186 : vector<1x4096xf32> to vector<4096xf32>
      %mul3A_188 = arith.mulf %get3A_183, %get3A_187 : vector<4096xf32>
      %add3A_189 = arith.addf %add3A_179, %mul3A_188 : vector<4096xf32>
      %get3A_190 = arith.constant 5 : index
      %get3A_191 = arith.constant 0 : index
      %get3A_192 = vector.load %arg4[%get3A_190, %get3A_191] : memref<32x4096xf32, #tpu.memory_space<vmem>>, vector<1x4096xf32>
      %get3A_193 = vector.shape_cast %get3A_192 : vector<1x4096xf32> to vector<4096xf32>
      %get3A_194 = arith.constant 15 : index
      %get3A_195 = arith.constant 0 : index
      %get3A_196 = vector.load %arg4[%get3A_194, %get3A_195] : memref<32x4096xf32, #tpu.memory_space<vmem>>, vector<1x4096xf32>
      %get3A_197 = vector.shape_cast %get3A_196 : vector<1x4096xf32> to vector<4096xf32>
      %mul3A_198 = arith.mulf %get3A_193, %get3A_197 : vector<4096xf32>
      %add3A_199 = arith.addf %add3A_189, %mul3A_198 : vector<4096xf32>
      %get3A_200 = arith.constant 21 : index
      %get3A_201 = arith.constant 0 : index
      %get3A_202 = vector.load %arg4[%get3A_200, %get3A_201] : memref<32x4096xf32, #tpu.memory_space<vmem>>, vector<1x4096xf32>
      %get3A_203 = vector.shape_cast %get3A_202 : vector<1x4096xf32> to vector<4096xf32>
      %sub3A_204 = arith.subf %get3A_203, %add3A_199 : vector<4096xf32>
      %mul3A_205 = arith.mulf %sub3A_204, %sub3A_204 : vector<4096xf32>
      %add3A_206 = arith.addf %add3A_167, %mul3A_205 : vector<4096xf32>
      %broadcast_in_dim3A_207 = arith.constant 0.000000e+00 : f32
      %broadcast_in_dim3A_208 = vector.broadcast %broadcast_in_dim3A_207 : f32 to vector<4096xf32>
      %get3A_209 = arith.constant 3 : index
      %get3A_210 = arith.constant 0 : index
      %get3A_211 = vector.load %arg4[%get3A_209, %get3A_210] : memref<32x4096xf32, #tpu.memory_space<vmem>>, vector<1x4096xf32>
      %get3A_212 = vector.shape_cast %get3A_211 : vector<1x4096xf32> to vector<4096xf32>
      %get3A_213 = arith.constant 10 : index
      %get3A_214 = arith.constant 0 : index
      %get3A_215 = vector.load %arg4[%get3A_213, %get3A_214] : memref<32x4096xf32, #tpu.memory_space<vmem>>, vector<1x4096xf32>
      %get3A_216 = vector.shape_cast %get3A_215 : vector<1x4096xf32> to vector<4096xf32>
      %mul3A_217 = arith.mulf %get3A_212, %get3A_216 : vector<4096xf32>
      %add3A_218 = arith.addf %broadcast_in_dim3A_208, %mul3A_217 : vector<4096xf32>
      %get3A_219 = arith.constant 4 : index
      %get3A_220 = arith.constant 0 : index
      %get3A_221 = vector.load %arg4[%get3A_219, %get3A_220] : memref<32x4096xf32, #tpu.memory_space<vmem>>, vector<1x4096xf32>
      %get3A_222 = vector.shape_cast %get3A_221 : vector<1x4096xf32> to vector<4096xf32>
      %get3A_223 = arith.constant 13 : index
      %get3A_224 = arith.constant 0 : index
      %get3A_225 = vector.load %arg4[%get3A_223, %get3A_224] : memref<32x4096xf32, #tpu.memory_space<vmem>>, vector<1x4096xf32>
      %get3A_226 = vector.shape_cast %get3A_225 : vector<1x4096xf32> to vector<4096xf32>
      %mul3A_227 = arith.mulf %get3A_222, %get3A_226 : vector<4096xf32>
      %add3A_228 = arith.addf %add3A_218, %mul3A_227 : vector<4096xf32>
      %get3A_229 = arith.constant 5 : index
      %get3A_230 = arith.constant 0 : index
      %get3A_231 = vector.load %arg4[%get3A_229, %get3A_230] : memref<32x4096xf32, #tpu.memory_space<vmem>>, vector<1x4096xf32>
      %get3A_232 = vector.shape_cast %get3A_231 : vector<1x4096xf32> to vector<4096xf32>
      %get3A_233 = arith.constant 16 : index
      %get3A_234 = arith.constant 0 : index
      %get3A_235 = vector.load %arg4[%get3A_233, %get3A_234] : memref<32x4096xf32, #tpu.memory_space<vmem>>, vector<1x4096xf32>
      %get3A_236 = vector.shape_cast %get3A_235 : vector<1x4096xf32> to vector<4096xf32>
      %mul3A_237 = arith.mulf %get3A_232, %get3A_236 : vector<4096xf32>
      %add3A_238 = arith.addf %add3A_228, %mul3A_237 : vector<4096xf32>
      %get3A_239 = arith.constant 22 : index
      %get3A_240 = arith.constant 0 : index
      %get3A_241 = vector.load %arg4[%get3A_239, %get3A_240] : memref<32x4096xf32, #tpu.memory_space<vmem>>, vector<1x4096xf32>
      %get3A_242 = vector.shape_cast %get3A_241 : vector<1x4096xf32> to vector<4096xf32>
      %sub3A_243 = arith.subf %get3A_242, %add3A_238 : vector<4096xf32>
      %mul3A_244 = arith.mulf %sub3A_243, %sub3A_243 : vector<4096xf32>
      %add3A_245 = arith.addf %add3A_206, %mul3A_244 : vector<4096xf32>
      %broadcast_in_dim3A_246 = arith.constant 0.000000e+00 : f32
      %broadcast_in_dim3A_247 = vector.broadcast %broadcast_in_dim3A_246 : f32 to vector<4096xf32>
      %get3A_248 = arith.constant 3 : index
      %get3A_249 = arith.constant 0 : index
      %get3A_250 = vector.load %arg4[%get3A_248, %get3A_249] : memref<32x4096xf32, #tpu.memory_space<vmem>>, vector<1x4096xf32>
      %get3A_251 = vector.shape_cast %get3A_250 : vector<1x4096xf32> to vector<4096xf32>
      %get3A_252 = arith.constant 11 : index
      %get3A_253 = arith.constant 0 : index
      %get3A_254 = vector.load %arg4[%get3A_252, %get3A_253] : memref<32x4096xf32, #tpu.memory_space<vmem>>, vector<1x4096xf32>
      %get3A_255 = vector.shape_cast %get3A_254 : vector<1x4096xf32> to vector<4096xf32>
      %mul3A_256 = arith.mulf %get3A_251, %get3A_255 : vector<4096xf32>
      %add3A_257 = arith.addf %broadcast_in_dim3A_247, %mul3A_256 : vector<4096xf32>
      %get3A_258 = arith.constant 4 : index
      %get3A_259 = arith.constant 0 : index
      %get3A_260 = vector.load %arg4[%get3A_258, %get3A_259] : memref<32x4096xf32, #tpu.memory_space<vmem>>, vector<1x4096xf32>
      %get3A_261 = vector.shape_cast %get3A_260 : vector<1x4096xf32> to vector<4096xf32>
      %get3A_262 = arith.constant 14 : index
      %get3A_263 = arith.constant 0 : index
      %get3A_264 = vector.load %arg4[%get3A_262, %get3A_263] : memref<32x4096xf32, #tpu.memory_space<vmem>>, vector<1x4096xf32>
      %get3A_265 = vector.shape_cast %get3A_264 : vector<1x4096xf32> to vector<4096xf32>
      %mul3A_266 = arith.mulf %get3A_261, %get3A_265 : vector<4096xf32>
      %add3A_267 = arith.addf %add3A_257, %mul3A_266 : vector<4096xf32>
      %get3A_268 = arith.constant 5 : index
      %get3A_269 = arith.constant 0 : index
      %get3A_270 = vector.load %arg4[%get3A_268, %get3A_269] : memref<32x4096xf32, #tpu.memory_space<vmem>>, vector<1x4096xf32>
      %get3A_271 = vector.shape_cast %get3A_270 : vector<1x4096xf32> to vector<4096xf32>
      %get3A_272 = arith.constant 17 : index
      %get3A_273 = arith.constant 0 : index
      %get3A_274 = vector.load %arg4[%get3A_272, %get3A_273] : memref<32x4096xf32, #tpu.memory_space<vmem>>, vector<1x4096xf32>
      %get3A_275 = vector.shape_cast %get3A_274 : vector<1x4096xf32> to vector<4096xf32>
      %mul3A_276 = arith.mulf %get3A_271, %get3A_275 : vector<4096xf32>
      %add3A_277 = arith.addf %add3A_267, %mul3A_276 : vector<4096xf32>
      %get3A_278 = arith.constant 23 : index
      %get3A_279 = arith.constant 0 : index
      %get3A_280 = vector.load %arg4[%get3A_278, %get3A_279] : memref<32x4096xf32, #tpu.memory_space<vmem>>, vector<1x4096xf32>
      %get3A_281 = vector.shape_cast %get3A_280 : vector<1x4096xf32> to vector<4096xf32>
      %sub3A_282 = arith.subf %get3A_281, %add3A_277 : vector<4096xf32>
      %mul3A_283 = arith.mulf %sub3A_282, %sub3A_282 : vector<4096xf32>
      %add3A_284 = arith.addf %add3A_245, %mul3A_283 : vector<4096xf32>
      %broadcast_in_dim3A_285 = arith.constant 0.000000e+00 : f32
      %broadcast_in_dim3A_286 = vector.broadcast %broadcast_in_dim3A_285 : f32 to vector<4096xf32>
      %get3A_287 = arith.constant 6 : index
      %get3A_288 = arith.constant 0 : index
      %get3A_289 = vector.load %arg4[%get3A_287, %get3A_288] : memref<32x4096xf32, #tpu.memory_space<vmem>>, vector<1x4096xf32>
      %get3A_290 = vector.shape_cast %get3A_289 : vector<1x4096xf32> to vector<4096xf32>
      %get3A_291 = arith.constant 9 : index
      %get3A_292 = arith.constant 0 : index
      %get3A_293 = vector.load %arg4[%get3A_291, %get3A_292] : memref<32x4096xf32, #tpu.memory_space<vmem>>, vector<1x4096xf32>
      %get3A_294 = vector.shape_cast %get3A_293 : vector<1x4096xf32> to vector<4096xf32>
      %mul3A_295 = arith.mulf %get3A_290, %get3A_294 : vector<4096xf32>
      %add3A_296 = arith.addf %broadcast_in_dim3A_286, %mul3A_295 : vector<4096xf32>
      %get3A_297 = arith.constant 7 : index
      %get3A_298 = arith.constant 0 : index
      %get3A_299 = vector.load %arg4[%get3A_297, %get3A_298] : memref<32x4096xf32, #tpu.memory_space<vmem>>, vector<1x4096xf32>
      %get3A_300 = vector.shape_cast %get3A_299 : vector<1x4096xf32> to vector<4096xf32>
      %get3A_301 = arith.constant 12 : index
      %get3A_302 = arith.constant 0 : index
      %get3A_303 = vector.load %arg4[%get3A_301, %get3A_302] : memref<32x4096xf32, #tpu.memory_space<vmem>>, vector<1x4096xf32>
      %get3A_304 = vector.shape_cast %get3A_303 : vector<1x4096xf32> to vector<4096xf32>
      %mul3A_305 = arith.mulf %get3A_300, %get3A_304 : vector<4096xf32>
      %add3A_306 = arith.addf %add3A_296, %mul3A_305 : vector<4096xf32>
      %get3A_307 = arith.constant 8 : index
      %get3A_308 = arith.constant 0 : index
      %get3A_309 = vector.load %arg4[%get3A_307, %get3A_308] : memref<32x4096xf32, #tpu.memory_space<vmem>>, vector<1x4096xf32>
      %get3A_310 = vector.shape_cast %get3A_309 : vector<1x4096xf32> to vector<4096xf32>
      %get3A_311 = arith.constant 15 : index
      %get3A_312 = arith.constant 0 : index
      %get3A_313 = vector.load %arg4[%get3A_311, %get3A_312] : memref<32x4096xf32, #tpu.memory_space<vmem>>, vector<1x4096xf32>
      %get3A_314 = vector.shape_cast %get3A_313 : vector<1x4096xf32> to vector<4096xf32>
      %mul3A_315 = arith.mulf %get3A_310, %get3A_314 : vector<4096xf32>
      %add3A_316 = arith.addf %add3A_306, %mul3A_315 : vector<4096xf32>
      %get3A_317 = arith.constant 24 : index
      %get3A_318 = arith.constant 0 : index
      %get3A_319 = vector.load %arg4[%get3A_317, %get3A_318] : memref<32x4096xf32, #tpu.memory_space<vmem>>, vector<1x4096xf32>
      %get3A_320 = vector.shape_cast %get3A_319 : vector<1x4096xf32> to vector<4096xf32>
      %sub3A_321 = arith.subf %get3A_320, %add3A_316 : vector<4096xf32>
      %mul3A_322 = arith.mulf %sub3A_321, %sub3A_321 : vector<4096xf32>
      %add3A_323 = arith.addf %add3A_284, %mul3A_322 : vector<4096xf32>
      %broadcast_in_dim3A_324 = arith.constant 0.000000e+00 : f32
      %broadcast_in_dim3A_325 = vector.broadcast %broadcast_in_dim3A_324 : f32 to vector<4096xf32>
      %get3A_326 = arith.constant 6 : index
      %get3A_327 = arith.constant 0 : index
      %get3A_328 = vector.load %arg4[%get3A_326, %get3A_327] : memref<32x4096xf32, #tpu.memory_space<vmem>>, vector<1x4096xf32>
      %get3A_329 = vector.shape_cast %get3A_328 : vector<1x4096xf32> to vector<4096xf32>
      %get3A_330 = arith.constant 10 : index
      %get3A_331 = arith.constant 0 : index
      %get3A_332 = vector.load %arg4[%get3A_330, %get3A_331] : memref<32x4096xf32, #tpu.memory_space<vmem>>, vector<1x4096xf32>
      %get3A_333 = vector.shape_cast %get3A_332 : vector<1x4096xf32> to vector<4096xf32>
      %mul3A_334 = arith.mulf %get3A_329, %get3A_333 : vector<4096xf32>
      %add3A_335 = arith.addf %broadcast_in_dim3A_325, %mul3A_334 : vector<4096xf32>
      %get3A_336 = arith.constant 7 : index
      %get3A_337 = arith.constant 0 : index
      %get3A_338 = vector.load %arg4[%get3A_336, %get3A_337] : memref<32x4096xf32, #tpu.memory_space<vmem>>, vector<1x4096xf32>
      %get3A_339 = vector.shape_cast %get3A_338 : vector<1x4096xf32> to vector<4096xf32>
      %get3A_340 = arith.constant 13 : index
      %get3A_341 = arith.constant 0 : index
      %get3A_342 = vector.load %arg4[%get3A_340, %get3A_341] : memref<32x4096xf32, #tpu.memory_space<vmem>>, vector<1x4096xf32>
      %get3A_343 = vector.shape_cast %get3A_342 : vector<1x4096xf32> to vector<4096xf32>
      %mul3A_344 = arith.mulf %get3A_339, %get3A_343 : vector<4096xf32>
      %add3A_345 = arith.addf %add3A_335, %mul3A_344 : vector<4096xf32>
      %get3A_346 = arith.constant 8 : index
      %get3A_347 = arith.constant 0 : index
      %get3A_348 = vector.load %arg4[%get3A_346, %get3A_347] : memref<32x4096xf32, #tpu.memory_space<vmem>>, vector<1x4096xf32>
      %get3A_349 = vector.shape_cast %get3A_348 : vector<1x4096xf32> to vector<4096xf32>
      %get3A_350 = arith.constant 16 : index
      %get3A_351 = arith.constant 0 : index
      %get3A_352 = vector.load %arg4[%get3A_350, %get3A_351] : memref<32x4096xf32, #tpu.memory_space<vmem>>, vector<1x4096xf32>
      %get3A_353 = vector.shape_cast %get3A_352 : vector<1x4096xf32> to vector<4096xf32>
      %mul3A_354 = arith.mulf %get3A_349, %get3A_353 : vector<4096xf32>
      %add3A_355 = arith.addf %add3A_345, %mul3A_354 : vector<4096xf32>
      %get3A_356 = arith.constant 25 : index
      %get3A_357 = arith.constant 0 : index
      %get3A_358 = vector.load %arg4[%get3A_356, %get3A_357] : memref<32x4096xf32, #tpu.memory_space<vmem>>, vector<1x4096xf32>
      %get3A_359 = vector.shape_cast %get3A_358 : vector<1x4096xf32> to vector<4096xf32>
      %sub3A_360 = arith.subf %get3A_359, %add3A_355 : vector<4096xf32>
      %mul3A_361 = arith.mulf %sub3A_360, %sub3A_360 : vector<4096xf32>
      %add3A_362 = arith.addf %add3A_323, %mul3A_361 : vector<4096xf32>
      %broadcast_in_dim3A_363 = arith.constant 0.000000e+00 : f32
      %broadcast_in_dim3A_364 = vector.broadcast %broadcast_in_dim3A_363 : f32 to vector<4096xf32>
      %get3A_365 = arith.constant 6 : index
      %get3A_366 = arith.constant 0 : index
      %get3A_367 = vector.load %arg4[%get3A_365, %get3A_366] : memref<32x4096xf32, #tpu.memory_space<vmem>>, vector<1x4096xf32>
      %get3A_368 = vector.shape_cast %get3A_367 : vector<1x4096xf32> to vector<4096xf32>
      %get3A_369 = arith.constant 11 : index
      %get3A_370 = arith.constant 0 : index
      %get3A_371 = vector.load %arg4[%get3A_369, %get3A_370] : memref<32x4096xf32, #tpu.memory_space<vmem>>, vector<1x4096xf32>
      %get3A_372 = vector.shape_cast %get3A_371 : vector<1x4096xf32> to vector<4096xf32>
      %mul3A_373 = arith.mulf %get3A_368, %get3A_372 : vector<4096xf32>
      %add3A_374 = arith.addf %broadcast_in_dim3A_364, %mul3A_373 : vector<4096xf32>
      %get3A_375 = arith.constant 7 : index
      %get3A_376 = arith.constant 0 : index
      %get3A_377 = vector.load %arg4[%get3A_375, %get3A_376] : memref<32x4096xf32, #tpu.memory_space<vmem>>, vector<1x4096xf32>
      %get3A_378 = vector.shape_cast %get3A_377 : vector<1x4096xf32> to vector<4096xf32>
      %get3A_379 = arith.constant 14 : index
      %get3A_380 = arith.constant 0 : index
      %get3A_381 = vector.load %arg4[%get3A_379, %get3A_380] : memref<32x4096xf32, #tpu.memory_space<vmem>>, vector<1x4096xf32>
      %get3A_382 = vector.shape_cast %get3A_381 : vector<1x4096xf32> to vector<4096xf32>
      %mul3A_383 = arith.mulf %get3A_378, %get3A_382 : vector<4096xf32>
      %add3A_384 = arith.addf %add3A_374, %mul3A_383 : vector<4096xf32>
      %get3A_385 = arith.constant 8 : index
      %get3A_386 = arith.constant 0 : index
      %get3A_387 = vector.load %arg4[%get3A_385, %get3A_386] : memref<32x4096xf32, #tpu.memory_space<vmem>>, vector<1x4096xf32>
      %get3A_388 = vector.shape_cast %get3A_387 : vector<1x4096xf32> to vector<4096xf32>
      %get3A_389 = arith.constant 17 : index
      %get3A_390 = arith.constant 0 : index
      %get3A_391 = vector.load %arg4[%get3A_389, %get3A_390] : memref<32x4096xf32, #tpu.memory_space<vmem>>, vector<1x4096xf32>
      %get3A_392 = vector.shape_cast %get3A_391 : vector<1x4096xf32> to vector<4096xf32>
      %mul3A_393 = arith.mulf %get3A_388, %get3A_392 : vector<4096xf32>
      %add3A_394 = arith.addf %add3A_384, %mul3A_393 : vector<4096xf32>
      %get3A_395 = arith.constant 26 : index
      %get3A_396 = arith.constant 0 : index
      %get3A_397 = vector.load %arg4[%get3A_395, %get3A_396] : memref<32x4096xf32, #tpu.memory_space<vmem>>, vector<1x4096xf32>
      %get3A_398 = vector.shape_cast %get3A_397 : vector<1x4096xf32> to vector<4096xf32>
      %sub3A_399 = arith.subf %get3A_398, %add3A_394 : vector<4096xf32>
      %mul3A_400 = arith.mulf %sub3A_399, %sub3A_399 : vector<4096xf32>
      %add3A_401 = arith.addf %add3A_362, %mul3A_400 : vector<4096xf32>
      %reduce_sum3A = vector.shape_cast %add3A_401 : vector<4096xf32> to vector<1x4096xf32>
      %reduce_sum3A_402 = arith.constant dense<0.000000e+00> : vector<1xf32>
      %reduce_sum3A_403 = vector.multi_reduction <add>, %reduce_sum3A, %reduce_sum3A_402 [1] : vector<1x4096xf32> to vector<1xf32>
      %reduce_sum3A_404 = vector.shape_cast %reduce_sum3A_403 : vector<1xf32> to vector<1x1xf32>
      %reduce_sum3A_405 = vector.extract %reduce_sum3A_404[0, 0] : f32 from vector<1x1xf32>
      %swap3A_406 = arith.constant 0 : index
      %swap3A_407 = arith.constant 0 : index
      %swap3A_408 = memref.load %arg6[%swap3A_406, %swap3A_407] : memref<1x1xf32, #tpu.memory_space<smem>>
      memref.store %reduce_sum3A_405, %arg6[%swap3A_406, %swap3A_407] : memref<1x1xf32, #tpu.memory_space<smem>>
    } else {
    }
    return
  }
  func.func @transform_0(%arg0: i32) -> (i32, i32) {
    %add3A = arith.constant 0 : i32
    %add3A_0 = arith.addi %arg0, %add3A : i32
    %c0_i32 = arith.constant 0 : i32
    %c0_i32_1 = arith.constant 0 : i32
    return %c0_i32, %add3A_0 : i32, i32
  }
  func.func @transform_1(%arg0: i32) -> (i32, i32) {
    %add3A = arith.constant 0 : i32
    %add3A_0 = arith.addi %arg0, %add3A : i32
    %c0_i32 = arith.constant 0 : i32
    %c0_i32_1 = arith.constant 0 : i32
    return %add3A_0, %c0_i32 : i32, i32
  }
  func.func @transform_2(%arg0: i32) -> (i32, i32) {
    %add3A = arith.constant 0 : i32
    %add3A_0 = arith.addi %arg0, %add3A : i32
    %c0_i32 = arith.constant 0 : i32
    %c0_i32_1 = arith.constant 0 : i32
    return %add3A_0, %c0_i32 : i32, i32
  }
  func.func @transform_3(%arg0: i32) -> (i32, i32) {
    %c0_i32 = arith.constant 0 : i32
    %c0_i32_0 = arith.constant 0 : i32
    %c0_i32_1 = arith.constant 0 : i32
    return %c0_i32, %c0_i32_0 : i32, i32
  }
  func.func @transform_4(%arg0: i32) -> i32 {
    %c0_i32 = arith.constant 0 : i32
    return %arg0 : i32
  }
  func.func @transform_5(%arg0: i32) -> (i32, i32) {
    %c0_i32 = arith.constant 0 : i32
    %c0_i32_0 = arith.constant 0 : i32
    %c0_i32_1 = arith.constant 0 : i32
    return %c0_i32, %c0_i32_0 : i32, i32
  }
}

module attributes {stable_mosaic.version = 14 : i64} {
  func.func @_stage3_body(%arg0: memref<32x4096xf32, #tpu.memory_space<vmem>>, %arg1: memref<32x4096xf32, #tpu.memory_space<vmem>>, %arg2: memref<32x4096xf32, #tpu.memory_space<vmem>>, %arg3: memref<32x4096xf32, #tpu.memory_space<vmem>>, %arg4: memref<1x1xf32, #tpu.memory_space<smem>>, %arg5: memref<1x1xf32, #tpu.memory_space<smem>>) attributes {dimension_semantics = [], scalar_prefetch = 0 : i64, scratch_operands = 0 : i64, tpu.core_type = #tpu.core_type<tc>} {
    %get3A = arith.constant 0 : index
    %get3A_0 = arith.constant 0 : index
    %get3A_1 = vector.load %arg0[%get3A, %get3A_0] : memref<32x4096xf32, #tpu.memory_space<vmem>>, vector<32x4096xf32>
    %reduce_sum3A = arith.constant dense<0.000000e+00> : vector<4096xf32>
    %reduce_sum3A_2 = vector.multi_reduction <add>, %get3A_1, %reduce_sum3A [0] : vector<32x4096xf32> to vector<4096xf32>
    %get3A_3 = arith.constant 0 : index
    %get3A_4 = arith.constant 0 : index
    %get3A_5 = vector.load %arg2[%get3A_3, %get3A_4] : memref<32x4096xf32, #tpu.memory_space<vmem>>, vector<32x4096xf32>
    %reduce_sum3A_6 = arith.constant dense<0.000000e+00> : vector<4096xf32>
    %reduce_sum3A_7 = vector.multi_reduction <add>, %get3A_5, %reduce_sum3A_6 [0] : vector<32x4096xf32> to vector<4096xf32>
    %add3A = arith.addf %reduce_sum3A_2, %reduce_sum3A_7 : vector<4096xf32>
    %get3A_8 = arith.constant 0 : index
    %get3A_9 = arith.constant 0 : index
    %get3A_10 = vector.load %arg1[%get3A_8, %get3A_9] : memref<32x4096xf32, #tpu.memory_space<vmem>>, vector<32x4096xf32>
    %reduce_sum3A_11 = arith.constant dense<0.000000e+00> : vector<4096xf32>
    %reduce_sum3A_12 = vector.multi_reduction <add>, %get3A_10, %reduce_sum3A_11 [0] : vector<32x4096xf32> to vector<4096xf32>
    %get3A_13 = arith.constant 0 : index
    %get3A_14 = arith.constant 0 : index
    %get3A_15 = vector.load %arg3[%get3A_13, %get3A_14] : memref<32x4096xf32, #tpu.memory_space<vmem>>, vector<32x4096xf32>
    %reduce_sum3A_16 = arith.constant dense<0.000000e+00> : vector<4096xf32>
    %reduce_sum3A_17 = vector.multi_reduction <add>, %get3A_15, %reduce_sum3A_16 [0] : vector<32x4096xf32> to vector<4096xf32>
    %add3A_18 = arith.addf %reduce_sum3A_12, %reduce_sum3A_17 : vector<4096xf32>
    %max3A = arith.constant 1.000000e+00 : f32
    %max3A_19 = vector.broadcast %max3A : f32 to vector<4096xf32>
    %max3A_20 = arith.maximumf %add3A_18, %max3A_19 : vector<4096xf32>
    %div3A = arith.divf %add3A, %max3A_20 : vector<4096xf32>
    %reduce_sum3A_21 = vector.shape_cast %div3A : vector<4096xf32> to vector<1x4096xf32>
    %reduce_sum3A_22 = arith.constant dense<0.000000e+00> : vector<1xf32>
    %reduce_sum3A_23 = vector.multi_reduction <add>, %reduce_sum3A_21, %reduce_sum3A_22 [1] : vector<1x4096xf32> to vector<1xf32>
    %reduce_sum3A_24 = vector.shape_cast %reduce_sum3A_23 : vector<1xf32> to vector<1x1xf32>
    %reduce_sum3A_25 = vector.extract %reduce_sum3A_24[0, 0] : f32 from vector<1x1xf32>
    %mul3A = arith.constant 2.44140625E-4 : f32
    %mul3A_26 = arith.mulf %reduce_sum3A_25, %mul3A : f32
    %get3A_27 = arith.constant 0 : index
    %get3A_28 = arith.constant 0 : index
    %get3A_29 = memref.load %arg4[%get3A_27, %get3A_28] : memref<1x1xf32, #tpu.memory_space<smem>>
    %add3A_30 = arith.addf %mul3A_26, %get3A_29 : f32
    %swap3A = arith.constant 0 : index
    %swap3A_31 = arith.constant 0 : index
    %swap3A_32 = memref.load %arg5[%swap3A, %swap3A_31] : memref<1x1xf32, #tpu.memory_space<smem>>
    memref.store %add3A_30, %arg5[%swap3A, %swap3A_31] : memref<1x1xf32, #tpu.memory_space<smem>>
    return
  }
}

</mosaic_0001>

<sc_bundles>
// kernel: kernel.10.cloned.1.call-start
scs
__scs_entry_jumppad:
0x0: {  	(pc) =	sbr.rel $0x88, $3  }
0x1: {  	(tag) =	ssettag $0x0;
	lr =	simm.s32 $0x1  }
0x2: {  	[smem:$0x3F98] =	sst lr;
	_ =	strace $0xD0000000  }
0x3: {  	_ = 	snop  }
0x4: {  	_ = 	snop  }
0x5: {  	_ = 	snop  }
0x6: {  	_ = 	snop  }
0x7: {  	_ = 	snop  }
__scs_overlays_trampoline_lowered:
0x8: {  	[smem:$0x3FA7] =	sst s0  }
0x9: {  	[smem:$0x3FA8] =	sst s1  }
0xa: {  	[smem:$0x3FA9] =	sst s2  }
0xb: {  	[smem:$0x3FAA] =	sst s3  }
0xc: {  	[smem:$0x3FAB] =	sst s4  }
0xd: {  	[smem:$0x3FAC] =	sst s5  }
0xe: {  	[smem:$0x3FAD] =	sst s6  }
0xf: {  	[smem:$0x3FAE] =	sst s7  }
0x10: {  	[smem:$0x3FAF] =	sst s8  }
0x11: {  	[smem:$0x3FB0] =	sst s9;
	s0 =	simm.s32 @!p0 $0x0  }
0x12: {  	s1 =	sld [smem:$0x3F96];
	s0 =	simm.s32 @p0 $0x1  }
0x13: {  	[smem:$0x3FB1] =	sst s0;
	s0 =	simm.s32 @!p1 $0x0  }
0x14: {  	s2 =	sld [smem:$0x3F95];
	s0 =	simm.s32 @p1 $0x1  }
0x15: {  	[smem:$0x3FB2] =	sst s0;
	s0 =	simm.s32 @!p2 $0x0  }
0x16: {  	s3 =	sld [smem:$0x3FDB];
	s0 =	simm.s32 @p2 $0x1  }
0x17: {  	s4 =	simm.s32 $0x1BF5;
	[smem:$0x3FB4] =	sst s0  }
0x18: {  	s0 =	sld [smem:$0x3F97];
	_ =	swait.ge [sflag:s4], $0x0  }
0x19: {  	s7 =	sld [smem:$0x3F98]  }
0x1a: {  	s8 =	sadd.s32 $0xFFFFE003, lr  }
0x1b: {  	s9 =	sadd.s32 $0xFFFFFEF7, lr;
	s5 =	simm.s32 $0xFFFFFFFF;
	p2 =	slt.u32 s8, $0xFFFFF086  }
0x1c: {  	p1 =	slt.u32 s9, $0xF7A;
	s5 =	simm.s32 @!p2 $0x0  }
0x1d: {  	s5 =	simm.s32 @p1 $0x1;
	p0 =	seq.s32 s7, s2  }
0x1e: {  	s7 =	smul.u32 @!p0 $0xF7A, s2;
	p2 =	seq.s32 @!p0 s5, $0x0  }
0x1f: {  	s9 =	smul.u32 $0xF7A, s1;
	s8 =	simm.s32 @!p0 $0x1BF5;
	p2 =	por !p2, p0  }
0x20: {  	[sflag:s8] =	ssyncset.s32 @!p0 $0xFFFFF086;
	s6 =	sadd.s32 @!p0 s3, s7;
	s7 =	simm.s32 @!p0 $0x108  }
0x21: {  	s3 =	sadd.s32 s3, s9;
	s6 =	sadd.s32 @!p0 $0x88, s6;
	s7 =	simm.s32 @p2 $0x1082  }
0x22: {  	[simem:s7], [sflag:s8] =	dma.local @!p0 [hbm:s6], $0xF7A  }
0x23: {  	s9 =	sor.u32 $0xD0000000, s2;
	s6 =	simm.s32 $0x108;
	_ =	swait.ge @!p0 [sflag:s8], $0x0  }
0x24: {  	s3 =	sadd.s32 $0x88, s3;
	s6 =	simm.s32 @!p1 $0x1082;
	[sflag:s4] =	ssyncset.s32 $0xFFFFF086  }
0x25: {  	[simem:s6], [sflag:s4] =	dma.local [hbm:s3], $0xF7A  }
0x26: {  	[smem:$0x3F98] =	sst s1;
	(tag) =	ssettag s2;
	_ =	strace s9  }
0x27: {  	s1 =	sld [smem:$0x3FA8]  }
0x28: {  	s2 =	sld [smem:$0x3FA9]  }
0x29: {  	s4 =	sld [smem:$0x3FAB]  }
0x2a: {  	p0 =	seq.s32 s5, $0x0;
	s5 =	sld [smem:$0x3FAC]  }
0x2b: {  	s6 =	sld [smem:$0x3FAD]  }
0x2c: {  	s7 =	sld [smem:$0x3FAE]  }
0x2d: {  	s3 =	simm.s32 $0x108;
	s8 =	sld [smem:$0x3FAF]  }
0x2e: {  	s3 =	simm.s32 @!p0 $0x1082;
	s9 =	sld [smem:$0x3FB0]  }
0x2f: {  	lr =	sadd.s32 s0, s3;
	s0 =	sld [smem:$0x3FA7]  }
0x30: {  	s3 =	sld [smem:$0x3FAA]  }
0x31: {  	[smem:$0x3FB3] =	sst s10  }
0x32: {  	s10 =	sld [smem:$0x3FB1];
	_ =	sdelay $0x3  }
0x33: {  	p0 =	seq.s32 s10, $0x1;
	s10 =	sld [smem:$0x3FB3];
	_ =	sdelay $0x3  }
0x34: {  	[smem:$0x3FB3] =	sst s10  }
0x35: {  	s10 =	sld [smem:$0x3FB2];
	_ =	sdelay $0x3  }
0x36: {  	p1 =	seq.s32 s10, $0x1;
	s10 =	sld [smem:$0x3FB3];
	_ =	sdelay $0x3  }
0x37: {  	[smem:$0x3FB3] =	sst s10  }
0x38: {  	s10 =	sld [smem:$0x3FB4]  }
0x39: {  	_ = 	snop;
	(pc) =	sbr.ind lr, $3  }
0x3a: {  	_ = 	snop  }
0x3b: {  	_ = 	snop  }
0x3c: {  	p2 =	seq.s32 s10, $0x1;
	s10 =	sld [smem:$0x3FB3]  }
0x3d: {  	_ =	shalt  }
0x3e: {  	_ =	shalt  }
0x3f: {  	_ =	shalt  }
0x40: {  	_ =	shalt  }
0x41: {  	_ =	shalt  }
0x42: {  	_ =	shalt  }
0x43: {  	_ =	shalt  }
0x44: {  	_ =	shalt  }
0x45: {  	_ =	shalt  }
0x46: {  	_ =	shalt  }
0x47: {  	_ =	shalt  }
0x48: {  	_ =	shalt  }
0x49: {  	_ =	shalt  }
0x4a: {  	_ =	shalt  }
0x4b: {  	_ =	shalt  }
0x4c: {  	_ =	shalt  }
0x4d: {  	_ =	shalt  }
0x4e: {  	_ =	shalt  }
0x4f: {  	_ =	shalt  }
0x50: {  	_ =	shalt  }
0x51: {  	_ =	shalt  }
0x52: {  	_ =	shalt  }
0x53: {  	_ =	shalt  }
0x54: {  	_ =	shalt  }
0x55: {  	_ =	shalt  }
0x56: {  	_ =	shalt  }
0x57: {  	_ =	shalt  }
0x58: {  	_ =	shalt  }
0x59: {  	_ =	shalt  }
0x5a: {  	_ =	shalt  }
0x5b: {  	_ =	shalt  }
0x5c: {  	_ =	shalt  }
0x5d: {  	_ =	shalt  }
0x5e: {  	_ =	shalt  }
0x5f: {  	_ =	shalt  }
0x60: {  	_ =	shalt  }
0x61: {  	_ =	shalt  }
0x62: {  	_ =	shalt  }
0x63: {  	_ =	shalt  }
0x64: {  	_ =	shalt  }
0x65: {  	_ =	shalt  }
0x66: {  	_ =	shalt  }
0x67: {  	_ =	shalt  }
0x68: {  	_ =	shalt  }
0x69: {  	_ =	shalt  }
0x6a: {  	_ =	shalt  }
0x6b: {  	_ =	shalt  }
0x6c: {  	_ =	shalt  }
0x6d: {  	_ =	shalt  }
0x6e: {  	_ =	shalt  }
0x6f: {  	_ =	shalt  }
0x70: {  	_ =	shalt  }
0x71: {  	_ =	shalt  }
0x72: {  	_ =	shalt  }
0x73: {  	_ =	shalt  }
0x74: {  	_ =	shalt  }
0x75: {  	_ =	shalt  }
0x76: {  	_ =	shalt  }
0x77: {  	_ =	shalt  }
0x78: {  	_ =	shalt  }
0x79: {  	_ =	shalt  }
0x7a: {  	_ =	shalt  }
0x7b: {  	_ =	shalt  }
0x7c: {  	_ =	shalt  }
0x7d: {  	_ =	shalt  }
0x7e: {  	_ =	shalt  }
0x7f: {  	_ =	shalt  }
0x80: {  	_ =	shalt  }
0x81: {  	_ =	shalt  }
0x82: {  	_ =	shalt  }
0x83: {  	_ =	shalt  }
0x84: {  	_ =	shalt  }
0x85: {  	_ =	shalt  }
0x86: {  	_ =	shalt  }
0x87: {  	_ =	shalt  }
.Lfunc_end0:
.L_simem_size_0:
called_computation.1_lowered:
.L_overlay_start_0:
0x88: {  	s2 =	sld [smem:$0x3FD9]  }
0x89: {  	s3 =	sld [smem:$0x3FFE];
	_ =	sdelay $0x1  }
0x8a: {  	s1 =	srdreg.scid  }
0x8b: {  	s0 =	sand.u32 $0x1, s1  }
0x8c: {  	s17 =	sshll.u32 s0, $0xA;
	s2 =	sadd.s32 s3, s2  }
0x8d: {  	s2 =	sadd.s32 s2, s17  }
0x8e: {  	[smem:$0x3FBF] =	sst s2  }
0x8f: {  	_ = 	snop  }
0x90: {  	s18 =	sld [smem:$0x3FC1];
	(tm) =	ssettm $0x1  }
0x91: {  	s19 =	sld [smem:$0x3FFB];
	_ =	sdelay $0x3  }
0x92: {  	_ =	strace s19  }
0x93: {  	s2 =	sld [smem:$0x3FFC];
	_ =	sdelay $0x3  }
0x94: {  	_ =	strace s2  }
0x95: {  	s2 =	sld [smem:$0x3FFD];
	_ =	sdelay $0x3  }
0x96: {  	_ =	strace s2  }
0x97: {  	_ =	strace $0x8FFFFFFF  }
0x98: {  	s20 =	sld [smem:$0x3FDB];
	_ =	sdelay $0x1  }
0x99: {  	s4 =	simm.s32 $_scs_section_size  }
0x9a: {  	s5 =	simm.s32 $_size__tile_overlayer_lowered;
	s6 =	simm.s32 $_tile_overlayer_lowered  }
0x9b: {  	s7 =	simm.s32 $0x1BFF;
	s21 =	sshll.u32 s6, $0x1;
	s4 =	sadd.s32 s4, s20  }
0x9c: {  	s22 =	simm.s32 $0x0;
	s5 =	sshll.u32 s5, $0x1;
	s6 =	sadd.s32 s21, s4  }
0x9d: {  	[timem:s22], [sflag:s7] =	dma.local [hbm:s6], s5  }
0x9e: {  	_ =	swait.ge [sflag:s7], s5  }
0x9f: {  	s5 =	ssub.s32 $0x0, s5;
	[sflag:s7] =	ssyncset.done $0x0  }
0xa0: {  	[sflag:s7] =	ssyncadd.s32 s5;
	_ =	sdelay $0x1  }
0xa1: {  	s23 =	simm.s32 $0x1B8B  }
0xa2: {  	_ =	swait.ge [sflag:s23], $0x1  }
0xa3: {  	[sflag:s23] =	ssyncset.done $0x0  }
0xa4: {  	[sflag:s23] =	ssyncadd.s32 $0xFFFFFFFF  }
0xa5: {  	s5 =	sld [smem:$0x0]  }
0xa6: {  	s6 =	sand.u32 $0xFFFFFFFE, s1  }
0xa7: {  	p0 =	sne.s32 s1, s6  }
0xa8: {  	s6 =	sshll.u32 @p0 s6, $0xE  }
0xa9: {  	s6 =	sadd.s32 @p0 $0x11B8D, s6;
	s7 =	sshll.u32 @p0 s5, $0x11  }
0xaa: {  	s6 =	sor.u32 @p0 s7, s6  }
0xab: {  	[sflag:s6] =	ssyncadd.remote.s32 @p0 $0x1;
	_ =	sdelay $0x1  }
0xac: {  	s6 =	simm.s32 @p0 $0x1B8D  }
0xad: {  	_ =	swait.eq @p0 [sflag:s6], $0x1  }
0xae: {  	[sflag:s6] =	ssyncadd.s32 @p0 $0xFFFFFFFF  }
0xaf: {  	s7 =	sshll.u32 @!p0 s1, $0xE  }
0xb0: {  	s7 =	sor.u32 @!p0 $0x4000, s7;
	s6 =	simm.s32 @!p0 $0x1B8D  }
0xb1: {  	s5 =	sshll.u32 @!p0 s5, $0x11;
	s7 =	sadd.s32 @!p0 $0x11B8D, s7;
	_ =	swait.eq @!p0 [sflag:s6], $0x1  }
0xb2: {  	s5 =	sor.u32 @!p0 s5, s7;
	[sflag:s6] =	ssyncadd.s32 @!p0 $0xFFFFFFFF  }
0xb3: {  	s25 =	simm.s32 $0x1B8E;
	s24 =	sld [smem:$0x3FFE];
	[sflag:s5] =	ssyncadd.remote.s32 @!p0 $0x1  }
0xb4: {  	s26 =	simm.s32 $execute0_lowered;
	[smem:$0x3FD2] =	sst s25  }
0xb5: {  	s6 =	sshll.u32 s26, $0x1;
	_ =	strace $0x80000049;
	[dreg:$0x1] =	wrdreg $0xFFFFFFFF  }
0xb6: {  	s28 =	simm.s32 $_size_execute0_lowered;
	s4 =	sadd.s32 s4, s6;
	[dreg:$0x0] =	wrdreg $0x0  }
0xb7: {  	s6 =	sshll.u32 s28, $0x1;
	[dreg:$0x2] =	wrdreg s4  }
0xb8: {  	[dreg:$0x3] =	wrdreg s6  }
0xb9: {  	[dreg:$0x4] =	wrdreg $0xC0  }
0xba: {  	_ =	task [dreg:s22], $0x5FFFF  }
0xbb: {  	[dreg:$0x1] =	wrdreg $0xFFFFFFFF  }
0xbc: {  	[dreg:$0x0] =	wrdreg $0x60  }
0xbd: {  	[dreg:$0x2] =	wrdreg s18  }
0xbe: {  	[dreg:$0x3] =	wrdreg s24  }
0xbf: {  	[dreg:$0x4] =	wrdreg $0xA  }
0xc0: {  	_ =	task.clear_ibuf [dreg:s22], $0x5FFFF;
	_ =	strace $0x90000049  }
0xc1: {  	s29 =	simm.s32 $0xA;
	_ =	strace $0x8000004B  }
0xc2: {  	_ =	swait.ge [sflag:s29], $0x1  }
0xc3: {  	[sflag:s29] =	ssyncadd.s32 $0xFFFFFFFF  }
0xc4: {  	_ =	strace $0x9000004B  }
0xc5: {  	_ =	sfence  }
0xc6: {  	s30 =	sld [smem:$0x0];
	_ =	sdelay $0x2  }
0xc7: {  	s31 =	sshll.u32 s1, $0xD;
	s1 =	sshrl.u32 s1, $0x2  }
0xc8: {  	s4 =	sand.u32 $0x4000, s31;
	s1 =	sadd.s32 s1, s30  }
0xc9: {  	s0 =	sor.u32 s4, s0;
	s1 =	sshll.u32 s1, $0x11  }
0xca: {  	s0 =	sor.u32 s1, s0  }
0xcb: {  	s0 =	sadd.s32 $0x8F2B, s0  }
0xcc: {  	[sflag:s0] =	ssyncadd.remote.s32 $0x1  }
0xcd: {  	_ =	sfence.sel $0xFFFF  }
0xce: {  	[dreg:$0x0] =	wrdreg $0xFFFFFFFF;
	(pc) =	sbr.abs _section_cstart, $3  }
0xcf: {  	[dreg:$0x1] =	wrdreg $0xFFFFFFFF  }
0xd0: {  	_ =	task.clear_ibuf [dreg:s22], $0x2FFFF;
	_ =	strace $0x9FFFFFFF  }
0xd1: {  	(tm) =	ssettm $0x7FFFFFFF  }
tec
execute0_lowered:
.L_overlay_start_1:
0x0: {  	(tag) =	ssettag $0x1  }
0x1: {  	s3 =	rddreg [dreg:$0x0]  }
0x2: {  	s4 =	rddreg [dreg:$0x1]  }
0x3: {  	s1 =	srdreg.scid;
	s0 =	rddreg [dreg:$0x2]  }
0x4: {  	s2 =	simm.s32 $0x0;
	s10 =	simm.s32 $0x1000;
	s11 =	simm.s32 $0x2000  }
0x5: {  	s12 =	simm.s32 $0x80;
	s13 =	simm.s32 $0x400;
	s5 =	sand.u32 $0x1, s1  }
0x6: {  	s1 =	stileid.u32;
	[smem:$0x7FF] =	sst s2;
	s6 =	sshll.u32 s5, $0x4  }
0x7: {  	s14 =	simm.s32 $0x0;
	_ =	strace $0x8000004A;
	s6 =	sor.u32 s1, s6  }
0x8: {  	s8 =	sshll.u32 s1, $0x4;
	s5 =	ssub.s32 $0x2, s5;
	s7 =	sshll.u32 s6, $0x9  }
0x9: {  	s9 =	sshrl.u32 s5, $0x1;
	s6 =	sshll.u32 s6, $0x8;
	s7 =	sor.u32 s8, s7  }
0xa: {  	s9 =	ssub.s32 s5, s9;
	s31 =	sadd.s32 s6, s4;
	s7 =	sand.u32 $0x3070, s7  }
0xb: {  	s3 =	sadd.s32 s6, s3;
	s8 =	simm.s32 $0x1;
	s7 =	sadd.s32 s7, s4  }
0xc: {  	s3 =	sadd.s32 $0x6000, s3;
	s4 =	sadd.s32 $0x10200, s31;
	s5 =	sadd.s32 $0x12200, s7  }
0xd: {  	v0 =	vimm.f32 $0.0e+00;
	v1 =	vimm.f32 $1.000000000e+00;
	s6 =	sadd.s32 $0x16200, s7;
	s7 =	smax.u32 s9, $0x1;
	s9 =	simm.s32 $0x800  }
.LBB2_1:
0xe: {  	[tilespmem:s2], [sflag:$0x1] =	stream.linear.gather [hbm4b:s3+s2], $0x800, $0x38;
	[tilespmem:$0x3000] =	vst v63  }
0xf: {  	_ =	swait.ge [sflag:s8], $0x800  }
0x10: {  	[sflag:s8] =	ssyncset.done $0x0  }
0x11: {  	[sflag:s8] =	ssyncadd.s32 $0xFFFFF800  }
0x12: {  	[tilespmem:s9], [sflag:$0x1] =	stream.linear.gather [hbm4b:s4+s2], $0x800, $0x38;
	[tilespmem:$0x3000] =	vst v63  }
0x13: {  	_ =	swait.ge [sflag:s8], $0x800  }
0x14: {  	[sflag:s8] =	ssyncset.done $0x0  }
0x15: {  	s15 =	simm.s32 $0x0;
	s16 =	simm.s32 $0x100;
	[sflag:s8] =	ssyncadd.s32 $0xFFFFF800  }
.LBB2_2:
0x16: {  	p0 =	sne.s32 s16, $0x3F00;
	[tilespmem:s15+$0x2030] =	vst v0  }
0x17: {  	[tilespmem:s15+$0x1000] =	vst v0  }
0x18: {  	[tilespmem:s15+$0x2000] =	vst v0  }
.Ltmp0:
0x19: {  	[tilespmem:s15+$0x1010] =	vst v0;
	(pc) =	sbr.rel @p0 .LBB2_2-.Ltmp0, $4  }
0x1a: {  	[tilespmem:s15+$0x2010] =	vst v0  }
0x1b: {  	[tilespmem:s15+$0x1020] =	vst v0  }
0x1c: {  	[tilespmem:s15+$0x2020] =	vst v0  }
0x1d: {  	[tilespmem:s15+$0x1030] =	vst v0;
	s15 =	sshra.s32 s16, $0x2;
	s16 =	sadd.s32 $0x100, s16  }
0x1e: {  	[tilespmem:s15+$0x2030] =	vst v0  }
0x1f: {  	[tilespmem:s15+$0x1000] =	vst v0  }
0x20: {  	[tilespmem:s15+$0x2000] =	vst v0  }
0x21: {  	[tilespmem:s15+$0x1010] =	vst v0  }
0x22: {  	[tilespmem:s15+$0x2010] =	vst v0  }
0x23: {  	[tilespmem:s15+$0x1020] =	vst v0  }
0x24: {  	[tilespmem:s15+$0x2020] =	vst v0  }
0x25: {  	[tilespmem:s15+$0x1030] =	vst v0;
	s15 =	simm.s32 $0x0  }
.LBB2_4:
0x26: {  	s16 =	sshra.s32 s15, $0x2  }
0x27: {  	v2 =	vld [tilespmem:s16+$0x0];
	_ =	sdelay $0x2  }
0x28: {  	v3 =	vld [tilespmem:s16+$0x800];
	_ =	sdelay $0x4  }
0x29: {  	[tilespmem:v2+s10+$0x0] =	vst.idx.add.f32.msk $0xffff, v3  }
0x2a: {  	[tilespmem:v2+s11+$0x0] =	vst.idx.add.f32.msk $0xffff, v1  }
0x2b: {  	v2 =	vld [tilespmem:s16+$0x10];
	_ =	sdelay $0x2  }
0x2c: {  	v3 =	vld [tilespmem:s16+$0x810];
	_ =	sdelay $0x4  }
0x2d: {  	[tilespmem:v2+s10+$0x0] =	vst.idx.add.f32.msk $0xffff, v3  }
0x2e: {  	[tilespmem:v2+s11+$0x0] =	vst.idx.add.f32.msk $0xffff, v1  }
0x2f: {  	v2 =	vld [tilespmem:s16+$0x20];
	_ =	sdelay $0x2  }
0x30: {  	v3 =	vld [tilespmem:s16+$0x820];
	_ =	sdelay $0x4  }
0x31: {  	[tilespmem:v2+s10+$0x0] =	vst.idx.add.f32.msk $0xffff, v3  }
0x32: {  	[tilespmem:v2+s11+$0x0] =	vst.idx.add.f32.msk $0xffff, v1  }
0x33: {  	v2 =	vld [tilespmem:s16+$0x30];
	_ =	sdelay $0x2  }
0x34: {  	v3 =	vld [tilespmem:s16+$0x830]  }
0x35: {  	p0 =	sne.s32 s15, $0x1F00  }
.Ltmp1:
0x36: {  	_ = 	snop;
	(pc) =	sbr.rel @p0 .LBB2_4-.Ltmp1, $3  }
0x37: {  	_ =	sdelay $0x1  }
0x38: {  	[tilespmem:v2+s10+$0x0] =	vst.idx.add.f32.msk $0xffff, v3  }
0x39: {  	s15 =	sadd.s32 $0x100, s15;
	[tilespmem:v2+s11+$0x0] =	vst.idx.add.f32.msk $0xffff, v1  }
0x3a: {  	[hbm4b:s5+s12] =	stream.strided.scatter [tilespmem:s10], [sflag:$0x1], $0x1000, s13, s12, $0x38;
	[tilespmem:$0x3000] =	vst v63  }
0x3b: {  	s14 =	sadd.s32 $0x1, s14;
	_ =	swait.ge [sflag:s8], $0x1000  }
0x3c: {  	p0 =	sne.s32 s14, s7;
	[sflag:s8] =	ssyncset.done $0x0  }
.Ltmp2:
0x3d: {  	[sflag:s8] =	ssyncadd.s32 $0xFFFFF000;
	(pc) =	sbr.rel @p0 .LBB2_1-.Ltmp2, $4  }
0x3e: {  	[hbm4b:s6+s12] =	stream.strided.scatter [tilespmem:s11], [sflag:$0x1], $0x1000, s13, s12, $0x38;
	[tilespmem:$0x3000] =	vst v63  }
0x3f: {  	_ =	swait.ge [sflag:s8], $0x1000  }
0x40: {  	[sflag:s8] =	ssyncset.done $0x0  }
0x41: {  	[sflag:s8] =	ssyncadd.s32 $0xFFFFF000  }
0x42: {  	_ =	sfence.sel $0x180000  }
0x43: {  	[bflag:$0x0] =	sbarrier.arrive $0xFFFF  }
0x44: {  	p0 =	sne.s32 s1, $0x0;
	_ =	strace $0x9000004A  }
0x45: {  	s0 =	sadd.s32 @!p0 $0x100000, s0;
	[bflag:$0x2] =	sbarrier.arrive $0xFFFF  }
0x46: {  	[sflag:s0] =	ssyncadd.tile.s32 @!p0 $0x1;
	_ =	shalt  }
.Lfunc_end2:
_tile_overlayer_lowered:
.L_overlay_start_2:
0x47: {  	(tag) =	ssettag $0x2  }
0x48: {  	s0 =	rddreg [dreg:$0x0];
	s2 =	stileid.u32  }
0x49: {  	s1 =	rddreg [dreg:$0x1];
	p0 =	sne.s32 s2, $0x0  }
0x4a: {  	s3 =	rddreg [dreg:$0x2];
	[bflag:$0x3] =	sbarrier.arrive $0xFFFF;
	s2 =	simm.s32 @!p0 $0x1C01  }
0x4b: {  	[timem:s3], [sflag:s2] =	dma.local @!p0 [hbm:s0], s1  }
0x4c: {  	s0 =	simm.s32 @!p0 $0x1  }
0x4d: {  	_ =	swait.ge @!p0 [sflag:s0], s1  }
0x4e: {  	s1 =	ssub.s32 @!p0 $0x0, s1;
	[sflag:s0] =	ssyncset.done @!p0 $0x0  }
0x4f: {  	[sflag:s0] =	ssyncadd.s32 @!p0 s1  }
0x50: {  	[bflag:$0x3] =	sbarrier.arrive $0xFFFF  }
0x51: {  	_ =	shalt  }

// kernel: kernel.7.cloned.1.call-start
scs
__scs_entry_jumppad:
0x0: {  	(pc) =	sbr.rel $0x88, $3  }
0x1: {  	(tag) =	ssettag $0x0;
	lr =	simm.s32 $0x1  }
0x2: {  	[smem:$0x3F98] =	sst lr;
	_ =	strace $0xD0000000  }
0x3: {  	_ = 	snop  }
0x4: {  	_ = 	snop  }
0x5: {  	_ = 	snop  }
0x6: {  	_ = 	snop  }
0x7: {  	_ = 	snop  }
__scs_overlays_trampoline_lowered:
0x8: {  	[smem:$0x3FA7] =	sst s0  }
0x9: {  	[smem:$0x3FA8] =	sst s1  }
0xa: {  	[smem:$0x3FA9] =	sst s2  }
0xb: {  	[smem:$0x3FAA] =	sst s3  }
0xc: {  	[smem:$0x3FAB] =	sst s4  }
0xd: {  	[smem:$0x3FAC] =	sst s5  }
0xe: {  	[smem:$0x3FAD] =	sst s6  }
0xf: {  	[smem:$0x3FAE] =	sst s7  }
0x10: {  	[smem:$0x3FAF] =	sst s8  }
0x11: {  	[smem:$0x3FB0] =	sst s9;
	s0 =	simm.s32 @!p0 $0x0  }
0x12: {  	s1 =	sld [smem:$0x3F96];
	s0 =	simm.s32 @p0 $0x1  }
0x13: {  	[smem:$0x3FB1] =	sst s0;
	s0 =	simm.s32 @!p1 $0x0  }
0x14: {  	s2 =	sld [smem:$0x3F95];
	s0 =	simm.s32 @p1 $0x1  }
0x15: {  	[smem:$0x3FB2] =	sst s0;
	s0 =	simm.s32 @!p2 $0x0  }
0x16: {  	s3 =	sld [smem:$0x3FDB];
	s0 =	simm.s32 @p2 $0x1  }
0x17: {  	s4 =	simm.s32 $0x1BF5;
	[smem:$0x3FB4] =	sst s0  }
0x18: {  	s0 =	sld [smem:$0x3F97];
	_ =	swait.ge [sflag:s4], $0x0  }
0x19: {  	s7 =	sld [smem:$0x3F98]  }
0x1a: {  	s8 =	sadd.s32 $0xFFFFE003, lr  }
0x1b: {  	s9 =	sadd.s32 $0xFFFFFEF7, lr;
	s5 =	simm.s32 $0xFFFFFFFF;
	p2 =	slt.u32 s8, $0xFFFFF086  }
0x1c: {  	p1 =	slt.u32 s9, $0xF7A;
	s5 =	simm.s32 @!p2 $0x0  }
0x1d: {  	s5 =	simm.s32 @p1 $0x1;
	p0 =	seq.s32 s7, s2  }
0x1e: {  	s7 =	smul.u32 @!p0 $0xF7A, s2;
	p2 =	seq.s32 @!p0 s5, $0x0  }
0x1f: {  	s9 =	smul.u32 $0xF7A, s1;
	s8 =	simm.s32 @!p0 $0x1BF5;
	p2 =	por !p2, p0  }
0x20: {  	[sflag:s8] =	ssyncset.s32 @!p0 $0xFFFFF086;
	s6 =	sadd.s32 @!p0 s3, s7;
	s7 =	simm.s32 @!p0 $0x108  }
0x21: {  	s3 =	sadd.s32 s3, s9;
	s6 =	sadd.s32 @!p0 $0x88, s6;
	s7 =	simm.s32 @p2 $0x1082  }
0x22: {  	[simem:s7], [sflag:s8] =	dma.local @!p0 [hbm:s6], $0xF7A  }
0x23: {  	s9 =	sor.u32 $0xD0000000, s2;
	s6 =	simm.s32 $0x108;
	_ =	swait.ge @!p0 [sflag:s8], $0x0  }
0x24: {  	s3 =	sadd.s32 $0x88, s3;
	s6 =	simm.s32 @!p1 $0x1082;
	[sflag:s4] =	ssyncset.s32 $0xFFFFF086  }
0x25: {  	[simem:s6], [sflag:s4] =	dma.local [hbm:s3], $0xF7A  }
0x26: {  	[smem:$0x3F98] =	sst s1;
	(tag) =	ssettag s2;
	_ =	strace s9  }
0x27: {  	s1 =	sld [smem:$0x3FA8]  }
0x28: {  	s2 =	sld [smem:$0x3FA9]  }
0x29: {  	s4 =	sld [smem:$0x3FAB]  }
0x2a: {  	p0 =	seq.s32 s5, $0x0;
	s5 =	sld [smem:$0x3FAC]  }
0x2b: {  	s6 =	sld [smem:$0x3FAD]  }
0x2c: {  	s7 =	sld [smem:$0x3FAE]  }
0x2d: {  	s3 =	simm.s32 $0x108;
	s8 =	sld [smem:$0x3FAF]  }
0x2e: {  	s3 =	simm.s32 @!p0 $0x1082;
	s9 =	sld [smem:$0x3FB0]  }
0x2f: {  	lr =	sadd.s32 s0, s3;
	s0 =	sld [smem:$0x3FA7]  }
0x30: {  	s3 =	sld [smem:$0x3FAA]  }
0x31: {  	[smem:$0x3FB3] =	sst s10  }
0x32: {  	s10 =	sld [smem:$0x3FB1];
	_ =	sdelay $0x3  }
0x33: {  	p0 =	seq.s32 s10, $0x1;
	s10 =	sld [smem:$0x3FB3];
	_ =	sdelay $0x3  }
0x34: {  	[smem:$0x3FB3] =	sst s10  }
0x35: {  	s10 =	sld [smem:$0x3FB2];
	_ =	sdelay $0x3  }
0x36: {  	p1 =	seq.s32 s10, $0x1;
	s10 =	sld [smem:$0x3FB3];
	_ =	sdelay $0x3  }
0x37: {  	[smem:$0x3FB3] =	sst s10  }
0x38: {  	s10 =	sld [smem:$0x3FB4]  }
0x39: {  	_ = 	snop;
	(pc) =	sbr.ind lr, $3  }
0x3a: {  	_ = 	snop  }
0x3b: {  	_ = 	snop  }
0x3c: {  	p2 =	seq.s32 s10, $0x1;
	s10 =	sld [smem:$0x3FB3]  }
0x3d: {  	_ =	shalt  }
0x3e: {  	_ =	shalt  }
0x3f: {  	_ =	shalt  }
0x40: {  	_ =	shalt  }
0x41: {  	_ =	shalt  }
0x42: {  	_ =	shalt  }
0x43: {  	_ =	shalt  }
0x44: {  	_ =	shalt  }
0x45: {  	_ =	shalt  }
0x46: {  	_ =	shalt  }
0x47: {  	_ =	shalt  }
0x48: {  	_ =	shalt  }
0x49: {  	_ =	shalt  }
0x4a: {  	_ =	shalt  }
0x4b: {  	_ =	shalt  }
0x4c: {  	_ =	shalt  }
0x4d: {  	_ =	shalt  }
0x4e: {  	_ =	shalt  }
0x4f: {  	_ =	shalt  }
0x50: {  	_ =	shalt  }
0x51: {  	_ =	shalt  }
0x52: {  	_ =	shalt  }
0x53: {  	_ =	shalt  }
0x54: {  	_ =	shalt  }
0x55: {  	_ =	shalt  }
0x56: {  	_ =	shalt  }
0x57: {  	_ =	shalt  }
0x58: {  	_ =	shalt  }
0x59: {  	_ =	shalt  }
0x5a: {  	_ =	shalt  }
0x5b: {  	_ =	shalt  }
0x5c: {  	_ =	shalt  }
0x5d: {  	_ =	shalt  }
0x5e: {  	_ =	shalt  }
0x5f: {  	_ =	shalt  }
0x60: {  	_ =	shalt  }
0x61: {  	_ =	shalt  }
0x62: {  	_ =	shalt  }
0x63: {  	_ =	shalt  }
0x64: {  	_ =	shalt  }
0x65: {  	_ =	shalt  }
0x66: {  	_ =	shalt  }
0x67: {  	_ =	shalt  }
0x68: {  	_ =	shalt  }
0x69: {  	_ =	shalt  }
0x6a: {  	_ =	shalt  }
0x6b: {  	_ =	shalt  }
0x6c: {  	_ =	shalt  }
0x6d: {  	_ =	shalt  }
0x6e: {  	_ =	shalt  }
0x6f: {  	_ =	shalt  }
0x70: {  	_ =	shalt  }
0x71: {  	_ =	shalt  }
0x72: {  	_ =	shalt  }
0x73: {  	_ =	shalt  }
0x74: {  	_ =	shalt  }
0x75: {  	_ =	shalt  }
0x76: {  	_ =	shalt  }
0x77: {  	_ =	shalt  }
0x78: {  	_ =	shalt  }
0x79: {  	_ =	shalt  }
0x7a: {  	_ =	shalt  }
0x7b: {  	_ =	shalt  }
0x7c: {  	_ =	shalt  }
0x7d: {  	_ =	shalt  }
0x7e: {  	_ =	shalt  }
0x7f: {  	_ =	shalt  }
0x80: {  	_ =	shalt  }
0x81: {  	_ =	shalt  }
0x82: {  	_ =	shalt  }
0x83: {  	_ =	shalt  }
0x84: {  	_ =	shalt  }
0x85: {  	_ =	shalt  }
0x86: {  	_ =	shalt  }
0x87: {  	_ =	shalt  }
.Lfunc_end0:
.L_simem_size_0:
called_computation_lowered:
.L_overlay_start_0:
0x88: {  	s2 =	sld [smem:$0x3FD9]  }
0x89: {  	s3 =	sld [smem:$0x3FFE];
	_ =	sdelay $0x1  }
0x8a: {  	s1 =	srdreg.scid  }
0x8b: {  	s0 =	sand.u32 $0x1, s1  }
0x8c: {  	s17 =	sshll.u32 s0, $0xA;
	s2 =	sadd.s32 s3, s2  }
0x8d: {  	s2 =	sadd.s32 s2, s17  }
0x8e: {  	[smem:$0x3FBF] =	sst s2  }
0x8f: {  	_ = 	snop  }
0x90: {  	s2 =	sld [smem:$0x3FC1];
	(tm) =	ssettm $0x1  }
0x91: {  	s18 =	sld [smem:$0x3FFB];
	_ =	sdelay $0x3  }
0x92: {  	_ =	strace s18  }
0x93: {  	s3 =	sld [smem:$0x3FFC];
	_ =	sdelay $0x3  }
0x94: {  	_ =	strace s3  }
0x95: {  	s3 =	sld [smem:$0x3FFD];
	_ =	sdelay $0x3  }
0x96: {  	_ =	strace s3  }
0x97: {  	_ =	strace $0x8FFFFFFF  }
0x98: {  	s19 =	sld [smem:$0x3FDB];
	_ =	sdelay $0x1  }
0x99: {  	s4 =	simm.s32 $_scs_section_size  }
0x9a: {  	s5 =	simm.s32 $_size__tile_overlayer_lowered;
	s6 =	simm.s32 $_tile_overlayer_lowered  }
0x9b: {  	s22 =	simm.s32 $0x1BFF;
	s21 =	sshll.u32 s6, $0x1;
	s3 =	sadd.s32 s4, s19  }
0x9c: {  	s7 =	simm.s32 $0x0;
	s20 =	sshll.u32 s5, $0x1;
	s5 =	sadd.s32 s21, s3  }
0x9d: {  	[timem:s7], [sflag:s22] =	dma.local [hbm:s5], s20  }
0x9e: {  	_ =	swait.ge [sflag:s22], s20  }
0x9f: {  	s4 =	ssub.s32 $0x0, s20;
	[sflag:s22] =	ssyncset.done $0x0  }
0xa0: {  	[sflag:s22] =	ssyncadd.s32 s4;
	_ =	sdelay $0x1  }
0xa1: {  	s23 =	simm.s32 $0x1B8B  }
0xa2: {  	_ =	swait.ge [sflag:s23], $0x1  }
0xa3: {  	[sflag:s23] =	ssyncset.done $0x0  }
0xa4: {  	s25 =	simm.s32 $0x1B8E;
	s24 =	sld [smem:$0x3FFE];
	[sflag:s23] =	ssyncadd.s32 $0xFFFFFFFF  }
0xa5: {  	s26 =	simm.s32 $execute0_lowered;
	[smem:$0x3FD2] =	sst s25  }
0xa6: {  	s5 =	sshll.u32 s26, $0x1;
	_ =	strace $0x80000046;
	[dreg:$0x1] =	wrdreg $0xFFFFFFFF  }
0xa7: {  	s28 =	simm.s32 $_size_execute0_lowered;
	s3 =	sadd.s32 s3, s5;
	[dreg:$0x0] =	wrdreg $0x0  }
0xa8: {  	s5 =	sshll.u32 s28, $0x1;
	[dreg:$0x2] =	wrdreg s3  }
0xa9: {  	[dreg:$0x3] =	wrdreg s5  }
0xaa: {  	[dreg:$0x4] =	wrdreg $0xC0  }
0xab: {  	_ =	task [dreg:s7], $0x5FFFF  }
0xac: {  	[dreg:$0x1] =	wrdreg $0xFFFFFFFF  }
0xad: {  	[dreg:$0x0] =	wrdreg $0x60  }
0xae: {  	[dreg:$0x2] =	wrdreg s2  }
0xaf: {  	[dreg:$0x3] =	wrdreg s24  }
0xb0: {  	[dreg:$0x4] =	wrdreg $0x9  }
0xb1: {  	_ =	task.clear_ibuf [dreg:s7], $0x5FFFF;
	_ =	strace $0x90000046  }
0xb2: {  	s29 =	simm.s32 $0x9;
	_ =	strace $0x80000048  }
0xb3: {  	_ =	swait.ge [sflag:s29], $0x1  }
0xb4: {  	[sflag:s29] =	ssyncadd.s32 $0xFFFFFFFF  }
0xb5: {  	_ =	strace $0x90000048  }
0xb6: {  	_ =	sfence  }
0xb7: {  	s30 =	sld [smem:$0x0];
	_ =	sdelay $0x2  }
0xb8: {  	s31 =	sshll.u32 s1, $0xD;
	s1 =	sshrl.u32 s1, $0x2  }
0xb9: {  	s3 =	sand.u32 $0x4000, s31;
	s1 =	sadd.s32 s1, s30  }
0xba: {  	s0 =	sor.u32 s3, s0;
	s1 =	sshll.u32 s1, $0x11  }
0xbb: {  	s0 =	sor.u32 s1, s0  }
0xbc: {  	s0 =	sadd.s32 $0x8F2B, s0  }
0xbd: {  	[sflag:s0] =	ssyncadd.remote.s32 $0x1  }
0xbe: {  	_ =	sfence.sel $0xFFFF  }
0xbf: {  	[dreg:$0x0] =	wrdreg $0xFFFFFFFF;
	(pc) =	sbr.abs _section_cstart, $3  }
0xc0: {  	[dreg:$0x1] =	wrdreg $0xFFFFFFFF  }
0xc1: {  	_ =	task.clear_ibuf [dreg:s7], $0x2FFFF;
	_ =	strace $0x9FFFFFFF  }
0xc2: {  	(tm) =	ssettm $0x7FFFFFFF  }
0xc3: {  	_ =	shalt  }
tec
execute0_lowered:
.L_overlay_start_1:
0x0: {  	(tag) =	ssettag $0x1  }
0x1: {  	s3 =	rddreg [dreg:$0x0]  }
0x2: {  	s0 =	srdreg.scid;
	s5 =	rddreg [dreg:$0x1]  }
0x3: {  	s1 =	stileid.u32;
	s2 =	simm.s32 $0x0;
	s10 =	simm.s32 $0x3000  }
0x4: {  	s11 =	simm.s32 $0x4000;
	s12 =	simm.s32 $0x80;
	s4 =	sand.u32 $0x1, s0  }
0x5: {  	s13 =	simm.s32 $0x400;
	s0 =	rddreg [dreg:$0x2];
	s6 =	sshll.u32 s4, $0x4  }
0x6: {  	s14 =	simm.s32 $0x0;
	[smem:$0x7FF] =	sst s2;
	s6 =	sor.u32 s1, s6  }
0x7: {  	s8 =	sshll.u32 s1, $0x4;
	s4 =	ssub.s32 $0x2, s4;
	s7 =	sshll.u32 s6, $0x9  }
0x8: {  	s31 =	sshrl.u32 s4, $0x1;
	s6 =	smul.u32 $0x300, s6;
	s7 =	sor.u32 s8, s7  }
0x9: {  	_ =	strace $0x80000047;
	s8 =	ssub.s32 s4, s31;
	s7 =	sand.u32 $0x3070, s7  }
0xa: {  	s9 =	sadd.s32 s6, s5;
	s3 =	sadd.s32 s3, s6;
	s7 =	sadd.s32 s7, s5  }
0xb: {  	s4 =	sadd.s32 $0x2200, s9;
	s9 =	simm.s32 $0x1800;
	s5 =	sadd.s32 $0x8200, s7  }
0xc: {  	v0 =	vimm.f32 $0.0e+00;
	v1 =	vimm.f32 $1.000000000e+00;
	s6 =	sadd.s32 $0xC200, s7;
	s7 =	smax.u32 s8, $0x1;
	s8 =	simm.s32 $0x1  }
.LBB2_1:
0xd: {  	[tilespmem:s2], [sflag:$0x1] =	stream.linear.gather [hbm4b:s3+s2], $0x1800, $0x38;
	[tilespmem:$0x5000] =	vst v63  }
0xe: {  	_ =	swait.ge [sflag:s8], $0x1800  }
0xf: {  	[sflag:s8] =	ssyncset.done $0x0  }
0x10: {  	[sflag:s8] =	ssyncadd.s32 $0xFFFFE800  }
0x11: {  	[tilespmem:s9], [sflag:$0x1] =	stream.linear.gather [hbm4b:s4+s2], $0x1800, $0x38;
	[tilespmem:$0x5000] =	vst v63  }
0x12: {  	_ =	swait.ge [sflag:s8], $0x1800  }
0x13: {  	[sflag:s8] =	ssyncset.done $0x0  }
0x14: {  	s15 =	simm.s32 $0x0;
	s16 =	simm.s32 $0x100;
	[sflag:s8] =	ssyncadd.s32 $0xFFFFE800  }
.LBB2_2:
0x15: {  	p0 =	sne.s32 s16, $0x3F00;
	[tilespmem:s15+$0x4030] =	vst v0  }
0x16: {  	[tilespmem:s15+$0x3000] =	vst v0  }
0x17: {  	[tilespmem:s15+$0x4000] =	vst v0  }
.Ltmp0:
0x18: {  	[tilespmem:s15+$0x3010] =	vst v0;
	(pc) =	sbr.rel @p0 .LBB2_2-.Ltmp0, $4  }
0x19: {  	[tilespmem:s15+$0x4010] =	vst v0  }
0x1a: {  	[tilespmem:s15+$0x3020] =	vst v0  }
0x1b: {  	[tilespmem:s15+$0x4020] =	vst v0  }
0x1c: {  	[tilespmem:s15+$0x3030] =	vst v0;
	s15 =	sshra.s32 s16, $0x2;
	s16 =	sadd.s32 $0x100, s16  }
0x1d: {  	[tilespmem:s15+$0x4030] =	vst v0  }
0x1e: {  	[tilespmem:s15+$0x3000] =	vst v0  }
0x1f: {  	[tilespmem:s15+$0x4000] =	vst v0  }
0x20: {  	[tilespmem:s15+$0x3010] =	vst v0  }
0x21: {  	[tilespmem:s15+$0x4010] =	vst v0  }
0x22: {  	[tilespmem:s15+$0x3020] =	vst v0  }
0x23: {  	[tilespmem:s15+$0x4020] =	vst v0  }
0x24: {  	[tilespmem:s15+$0x3030] =	vst v0;
	s15 =	simm.s32 $0x0  }
.LBB2_4:
0x25: {  	s16 =	sshra.s32 s15, $0x2  }
0x26: {  	v2 =	vld [tilespmem:s16+$0x0];
	_ =	sdelay $0x2  }
0x27: {  	v3 =	vld [tilespmem:s16+$0x1800];
	_ =	sdelay $0x4  }
0x28: {  	[tilespmem:v2+s10+$0x0] =	vst.idx.add.f32.msk $0xffff, v3  }
0x29: {  	[tilespmem:v2+s11+$0x0] =	vst.idx.add.f32.msk $0xffff, v1  }
0x2a: {  	v2 =	vld [tilespmem:s16+$0x10];
	_ =	sdelay $0x2  }
0x2b: {  	v3 =	vld [tilespmem:s16+$0x1810];
	_ =	sdelay $0x4  }
0x2c: {  	[tilespmem:v2+s10+$0x0] =	vst.idx.add.f32.msk $0xffff, v3  }
0x2d: {  	[tilespmem:v2+s11+$0x0] =	vst.idx.add.f32.msk $0xffff, v1  }
0x2e: {  	v2 =	vld [tilespmem:s16+$0x20];
	_ =	sdelay $0x2  }
0x2f: {  	v3 =	vld [tilespmem:s16+$0x1820];
	_ =	sdelay $0x4  }
0x30: {  	[tilespmem:v2+s10+$0x0] =	vst.idx.add.f32.msk $0xffff, v3  }
0x31: {  	[tilespmem:v2+s11+$0x0] =	vst.idx.add.f32.msk $0xffff, v1  }
0x32: {  	v2 =	vld [tilespmem:s16+$0x30];
	_ =	sdelay $0x2  }
0x33: {  	v3 =	vld [tilespmem:s16+$0x1830]  }
0x34: {  	p0 =	sne.s32 s15, $0x5F00  }
.Ltmp1:
0x35: {  	_ = 	snop;
	(pc) =	sbr.rel @p0 .LBB2_4-.Ltmp1, $3  }
0x36: {  	_ =	sdelay $0x1  }
0x37: {  	[tilespmem:v2+s10+$0x0] =	vst.idx.add.f32.msk $0xffff, v3  }
0x38: {  	s15 =	sadd.s32 $0x100, s15;
	[tilespmem:v2+s11+$0x0] =	vst.idx.add.f32.msk $0xffff, v1  }
0x39: {  	[hbm4b:s5+s12] =	stream.strided.scatter [tilespmem:s10], [sflag:$0x1], $0x1000, s13, s12, $0x38;
	[tilespmem:$0x5000] =	vst v63  }
0x3a: {  	s14 =	sadd.s32 $0x1, s14;
	_ =	swait.ge [sflag:s8], $0x1000  }
0x3b: {  	p0 =	sne.s32 s14, s7;
	[sflag:s8] =	ssyncset.done $0x0  }
.Ltmp2:
0x3c: {  	[sflag:s8] =	ssyncadd.s32 $0xFFFFF000;
	(pc) =	sbr.rel @p0 .LBB2_1-.Ltmp2, $4  }
0x3d: {  	[hbm4b:s6+s12] =	stream.strided.scatter [tilespmem:s11], [sflag:$0x1], $0x1000, s13, s12, $0x38;
	[tilespmem:$0x5000] =	vst v63  }
0x3e: {  	_ =	swait.ge [sflag:s8], $0x1000  }
0x3f: {  	[sflag:s8] =	ssyncset.done $0x0  }
0x40: {  	[sflag:s8] =	ssyncadd.s32 $0xFFFFF000  }
0x41: {  	_ =	sfence.sel $0x180000  }
0x42: {  	[bflag:$0x0] =	sbarrier.arrive $0xFFFF  }
0x43: {  	p0 =	sne.s32 s1, $0x0;
	_ =	strace $0x90000047  }
0x44: {  	s0 =	sadd.s32 @!p0 $0x100000, s0;
	[bflag:$0x2] =	sbarrier.arrive $0xFFFF  }
0x45: {  	[sflag:s0] =	ssyncadd.tile.s32 @!p0 $0x1;
	_ =	shalt  }
.Lfunc_end2:
_tile_overlayer_lowered:
.L_overlay_start_2:
0x46: {  	(tag) =	ssettag $0x2  }
0x47: {  	s0 =	rddreg [dreg:$0x0];
	s2 =	stileid.u32  }
0x48: {  	s1 =	rddreg [dreg:$0x1];
	p0 =	sne.s32 s2, $0x0  }
0x49: {  	s3 =	rddreg [dreg:$0x2];
	[bflag:$0x3] =	sbarrier.arrive $0xFFFF;
	s2 =	simm.s32 @!p0 $0x1C01  }
0x4a: {  	[timem:s3], [sflag:s2] =	dma.local @!p0 [hbm:s0], s1  }
0x4b: {  	s0 =	simm.s32 @!p0 $0x1  }
0x4c: {  	_ =	swait.ge @!p0 [sflag:s0], s1  }
0x4d: {  	s1 =	ssub.s32 @!p0 $0x0, s1;
	[sflag:s0] =	ssyncset.done @!p0 $0x0  }
0x4e: {  	[sflag:s0] =	ssyncadd.s32 @!p0 s1  }
0x4f: {  	[bflag:$0x3] =	sbarrier.arrive $0xFFFF  }
0x50: {  	_ =	shalt  }

</sc_bundles>
